<compile_context>
chip_gen: v7x
topology: tpu7x:2x2x1
jax: 0.10.2.dev20260603
libtpu: 0.0.44.dev20260713+nightly
codegen_flags: <defaults>
</compile_context>

<pallas_src>
import functools

import jax
import jax.numpy as jnp
from jax import lax
from jax.experimental import pallas as pl
from jax.experimental.pallas import tpu as pltpu
from jax.experimental.pallas import tpu_sc as plsc

_ROW = 128
_G = 4


def kernel(word, positive, negatives, w_input, w_output):
    B, N = negatives.shape
    V, D = w_input.shape

    info = plsc.get_sparse_core_info()
    nc, ns = info.num_cores, info.num_subcores
    nw = nc * ns

    chunk = _ROW * _G

    word2 = word.astype(jnp.int32).reshape(B // _ROW, _ROW)
    pos2 = positive.astype(jnp.int32).reshape(B // _ROW, _ROW)
    neg2 = negatives.astype(jnp.int32).reshape(B * N // _ROW, _ROW)

    mesh = plsc.VectorSubcoreMesh(core_axis_name="c", subcore_axis_name="s")

    @functools.partial(
        pl.kernel,
        mesh=mesh,
        out_type=(
            jax.ShapeDtypeStruct((B, D), jnp.float32),
            jax.ShapeDtypeStruct((B, D), jnp.float32),
            jax.ShapeDtypeStruct((B * N, D), jnp.float32),
        ),
        scratch_types=[
            pltpu.VMEM((_G, _ROW), jnp.int32),
            pltpu.VMEM((chunk, D), jnp.float32),
            pltpu.SemaphoreType.DMA,
        ],
        compiler_params=pltpu.CompilerParams(use_tc_tiling_on_sc=False),
    )
    def gather_all(word_h, pos_h, neg_h, win_h, wout_h, ow_h, op_h, on_h,
                   idx_v, rows_v, sem):
        wid = lax.axis_index("s") * nc + lax.axis_index("c")

        def run_segment(idx_h, table_h, out_h, n_idx_rows):
            rows_per_worker = n_idx_rows // nw
            chunks = rows_per_worker // _G
            base_row = wid * rows_per_worker

            def body(i, carry):
                roff = base_row + i * _G
                pltpu.sync_copy(idx_h.at[pl.ds(roff, _G)], idx_v)
                copies = [
                    pltpu.async_copy(
                        table_h.at[idx_v.at[j]],
                        rows_v.at[pl.ds(j * _ROW, _ROW)],
                        sem,
                    )
                    for j in range(_G)
                ]
                for cp in copies:
                    cp.wait()
                pltpu.sync_copy(rows_v, out_h.at[pl.ds(roff * _ROW, chunk)])
                return carry

            lax.fori_loop(0, chunks, body, 0)

        run_segment(word_h, win_h, ow_h, B // _ROW)
        run_segment(pos_h, wout_h, op_h, B // _ROW)
        run_segment(neg_h, wout_h, on_h, B * N // _ROW)

    ow, op, on = gather_all(word2, pos2, neg2, w_input, w_output)
    return ow, op, on.reshape(B, N, D)

# --- scband reference (transcript-rebuilt; emitter-appended) ---
"""Pipeline reference for scband-word2-vec-18167711662653 (READ-ONLY COPY).

The authoritative reference and input builder live on the scoring server;
editing this copy changes nothing except your own understanding.
"""

import jax, jax.numpy as jnp
import numpy as np

VOCAB = 1000000
DIM = 64
BATCH = 16384
N_NEG = 20

def setup_inputs(seed: int = 0) -> dict:
    key = jax.random.key(seed)
    k1, k2, k3, k4, k5 = jax.random.split(key, 5)
    word = jax.random.randint(k1, (BATCH,), 0, VOCAB, dtype=jnp.int64 if jax.config.jax_enable_x64 else jnp.int32)
    positive = jax.random.randint(k2, (BATCH,), 0, VOCAB, dtype=jnp.int64 if jax.config.jax_enable_x64 else jnp.int32)
    negatives = jax.random.randint(k3, (BATCH, N_NEG), 0, VOCAB, dtype=jnp.int64 if jax.config.jax_enable_x64 else jnp.int32)
    # w_input initialized with xavier uniform (per init_w_input_with_xavier=True)
    limit = float(np.sqrt(6.0 / (VOCAB + DIM)))
    w_input = jax.random.uniform(k4, (VOCAB, DIM), minval=-limit, maxval=limit, dtype=jnp.float32)
    # w_output: init_w_output_with_zeros=False -> default nn.Embedding init ~ N(0,1)
    w_output = jax.random.normal(k5, (VOCAB, DIM), dtype=jnp.float32)
    return {"word": word, "positive": positive, "negatives": negatives, "w_input": w_input, "w_output": w_output}

def reference(word, positive, negatives, w_input, w_output):
    word_vec = jnp.take(w_input, word, axis=0)
    positive_vec = jnp.take(w_output, positive, axis=0)
    negatives_vecs = jnp.take(w_output, negatives, axis=0)
    return (word_vec, positive_vec, negatives_vecs)

if __name__ == "__main__":
    import jax
    _d = setup_inputs()
    print(jax.jit(kernel)(*tuple(_d.values())))

</pallas_src>

<mosaic_0001>
#map = affine_map<(d0, d1) -> (0, 0)>
module attributes {stable_mosaic.version = 14 : i64} {
  func.func @gather_all(%arg0: i32, %arg1: i32, %arg2: memref<128x128xi32, #tpu.memory_space<hbm>>, %arg3: memref<128x128xi32, #tpu.memory_space<hbm>>, %arg4: memref<2560x128xi32, #tpu.memory_space<hbm>>, %arg5: memref<1000000x64xf32, #tpu.memory_space<hbm>>, %arg6: memref<1000000x64xf32, #tpu.memory_space<hbm>>, %arg7: memref<16384x64xf32, #tpu.memory_space<hbm>>, %arg8: memref<16384x64xf32, #tpu.memory_space<hbm>>, %arg9: memref<327680x64xf32, #tpu.memory_space<hbm>>, %arg10: memref<4x128xi32, #tpu.memory_space<vmem>>, %arg11: memref<512x64xf32, #tpu.memory_space<vmem>>, %arg12: memref<!tpu.dma_semaphore, #tpu.memory_space<semaphore_mem>>) attributes {dimension_semantics = [#tpu.dimension_semantics<core_parallel>, #tpu.dimension_semantics<subcore_parallel>], iteration_bounds = array<i64: 2, 16>, scalar_prefetch = 0 : i64, scratch_operands = 3 : i64, tpu.core_type = #tpu.core_type<sc_vector_subcore>, window_params = [{transform_indices = #map}, {transform_indices = #map}, {transform_indices = #map}, {transform_indices = #map}, {transform_indices = #map}, {transform_indices = #map}, {transform_indices = #map}, {transform_indices = #map}]} {
    %mul3A = arith.constant 2 : i32
    %mul3A_0 = arith.muli %arg1, %mul3A : i32
    %add3A = arith.addi %mul3A_0, %arg0 : i32
    %mul3A_1 = arith.constant 4 : i32
    %mul3A_2 = arith.muli %add3A, %mul3A_1 : i32
    %scan3A = arith.constant 0 : i32
    %scan3A_3 = arith.constant 0 : i32
    %mul3A_4 = arith.constant 4 : i32
    %mul3A_5 = arith.muli %scan3A_3, %mul3A_4 : i32
    %add3A_6 = arith.addi %mul3A_2, %mul3A_5 : i32
    "tpu.region"() ({
      %run_scoped3A = tpu.sem_alloc : memref<!tpu.dma_semaphore, #tpu.memory_space<semaphore_mem>>
      %dma_start3A_186 = arith.constant 0 : i32
      %dma_start3A_187 = tpu.memref_slice %arg2[%add3A_6, %dma_start3A_186] : memref<128x128xi32, #tpu.memory_space<hbm>> -> memref<4x128xi32, #tpu.memory_space<hbm>>
      %dma_start3A_188 = arith.constant 0 : i32
      %dma_start3A_189 = tpu.memref_slice %arg2[%add3A_6, %dma_start3A_188] : memref<128x128xi32, #tpu.memory_space<hbm>> -> memref<4x128xi32, #tpu.memory_space<hbm>>
      tpu.enqueue_dma source(%dma_start3A_189 : memref<4x128xi32, #tpu.memory_space<hbm>>) target(%arg10 : memref<4x128xi32, #tpu.memory_space<vmem>>) target_semaphore(%run_scoped3A : memref<!tpu.dma_semaphore, #tpu.memory_space<semaphore_mem>>)
      %dma_wait3A_190 = arith.constant 0 : i32
      %dma_wait3A_191 = tpu.memref_slice %arg2[%add3A_6, %dma_wait3A_190] : memref<128x128xi32, #tpu.memory_space<hbm>> -> memref<4x128xi32, #tpu.memory_space<hbm>>
      %dma_wait3A_192 = arith.constant 0 : i32
      %dma_wait3A_193 = tpu.memref_slice %arg2[%add3A_6, %dma_wait3A_192] : memref<128x128xi32, #tpu.memory_space<hbm>> -> memref<4x128xi32, #tpu.memory_space<hbm>>
      tpu.wait_dma2 semaphore(%run_scoped3A : memref<!tpu.dma_semaphore, #tpu.memory_space<semaphore_mem>>) src(%dma_wait3A_193 : memref<4x128xi32, #tpu.memory_space<hbm>>) dst(%arg10 : memref<4x128xi32, #tpu.memory_space<vmem>>)
      tpu.yield
    }) : () -> ()
    %dma_start3A = arith.constant 0 : i32
    %dma_start3A_7 = arith.constant 0 : i32
    %dma_start3A_8 = arith.constant 0 : i32
    %dma_start3A_9 = tpu.memref_slice %arg11[%dma_start3A_7, %dma_start3A_8] : memref<512x64xf32, #tpu.memory_space<vmem>> -> memref<128x64xf32, #tpu.memory_space<vmem>>
    %dma_start3A_10 = arith.constant 0 : i32
    %dma_start3A_11 = tpu.memref_slice %arg10[%dma_start3A, %dma_start3A_10] : memref<4x128xi32, #tpu.memory_space<vmem>> -> memref<1x128xi32, #tpu.memory_space<vmem>>
    %dma_start3A_12 = tpu.memref_squeeze %dma_start3A_11 : memref<1x128xi32, #tpu.memory_space<vmem>> -> memref<128xi32, #tpu.memory_space<vmem>>
    %dma_start3A_13 = arith.constant 0 : i32
    %dma_start3A_14 = arith.constant 0 : i32
    %dma_start3A_15 = tpu.memref_slice %arg5[%dma_start3A_13, %dma_start3A_14] : memref<1000000x64xf32, #tpu.memory_space<hbm>> -> memref<1000000x64xf32, #tpu.memory_space<hbm>>
    tpu.enqueue_indirect_dma source(%dma_start3A_15 : memref<1000000x64xf32, #tpu.memory_space<hbm>>) target(%dma_start3A_9 : memref<128x64xf32, #tpu.memory_space<vmem>>) offsets(%dma_start3A_12 : memref<128xi32, #tpu.memory_space<vmem>>) semaphore(%arg12 : memref<!tpu.dma_semaphore, #tpu.memory_space<semaphore_mem>>)
    %dma_start3A_16 = arith.constant 1 : i32
    %dma_start3A_17 = arith.constant 128 : i32
    %dma_start3A_18 = arith.constant 0 : i32
    %dma_start3A_19 = tpu.memref_slice %arg11[%dma_start3A_17, %dma_start3A_18] : memref<512x64xf32, #tpu.memory_space<vmem>> -> memref<128x64xf32, #tpu.memory_space<vmem>>
    %dma_start3A_20 = arith.constant 0 : i32
    %dma_start3A_21 = tpu.memref_slice %arg10[%dma_start3A_16, %dma_start3A_20] : memref<4x128xi32, #tpu.memory_space<vmem>> -> memref<1x128xi32, #tpu.memory_space<vmem>>
    %dma_start3A_22 = tpu.memref_squeeze %dma_start3A_21 : memref<1x128xi32, #tpu.memory_space<vmem>> -> memref<128xi32, #tpu.memory_space<vmem>>
    %dma_start3A_23 = arith.constant 0 : i32
    %dma_start3A_24 = arith.constant 0 : i32
    %dma_start3A_25 = tpu.memref_slice %arg5[%dma_start3A_23, %dma_start3A_24] : memref<1000000x64xf32, #tpu.memory_space<hbm>> -> memref<1000000x64xf32, #tpu.memory_space<hbm>>
    tpu.enqueue_indirect_dma source(%dma_start3A_25 : memref<1000000x64xf32, #tpu.memory_space<hbm>>) target(%dma_start3A_19 : memref<128x64xf32, #tpu.memory_space<vmem>>) offsets(%dma_start3A_22 : memref<128xi32, #tpu.memory_space<vmem>>) semaphore(%arg12 : memref<!tpu.dma_semaphore, #tpu.memory_space<semaphore_mem>>)
    %dma_start3A_26 = arith.constant 2 : i32
    %dma_start3A_27 = arith.constant 256 : i32
    %dma_start3A_28 = arith.constant 0 : i32
    %dma_start3A_29 = tpu.memref_slice %arg11[%dma_start3A_27, %dma_start3A_28] : memref<512x64xf32, #tpu.memory_space<vmem>> -> memref<128x64xf32, #tpu.memory_space<vmem>>
    %dma_start3A_30 = arith.constant 0 : i32
    %dma_start3A_31 = tpu.memref_slice %arg10[%dma_start3A_26, %dma_start3A_30] : memref<4x128xi32, #tpu.memory_space<vmem>> -> memref<1x128xi32, #tpu.memory_space<vmem>>
    %dma_start3A_32 = tpu.memref_squeeze %dma_start3A_31 : memref<1x128xi32, #tpu.memory_space<vmem>> -> memref<128xi32, #tpu.memory_space<vmem>>
    %dma_start3A_33 = arith.constant 0 : i32
    %dma_start3A_34 = arith.constant 0 : i32
    %dma_start3A_35 = tpu.memref_slice %arg5[%dma_start3A_33, %dma_start3A_34] : memref<1000000x64xf32, #tpu.memory_space<hbm>> -> memref<1000000x64xf32, #tpu.memory_space<hbm>>
    tpu.enqueue_indirect_dma source(%dma_start3A_35 : memref<1000000x64xf32, #tpu.memory_space<hbm>>) target(%dma_start3A_29 : memref<128x64xf32, #tpu.memory_space<vmem>>) offsets(%dma_start3A_32 : memref<128xi32, #tpu.memory_space<vmem>>) semaphore(%arg12 : memref<!tpu.dma_semaphore, #tpu.memory_space<semaphore_mem>>)
    %dma_start3A_36 = arith.constant 3 : i32
    %dma_start3A_37 = arith.constant 384 : i32
    %dma_start3A_38 = arith.constant 0 : i32
    %dma_start3A_39 = tpu.memref_slice %arg11[%dma_start3A_37, %dma_start3A_38] : memref<512x64xf32, #tpu.memory_space<vmem>> -> memref<128x64xf32, #tpu.memory_space<vmem>>
    %dma_start3A_40 = arith.constant 0 : i32
    %dma_start3A_41 = tpu.memref_slice %arg10[%dma_start3A_36, %dma_start3A_40] : memref<4x128xi32, #tpu.memory_space<vmem>> -> memref<1x128xi32, #tpu.memory_space<vmem>>
    %dma_start3A_42 = tpu.memref_squeeze %dma_start3A_41 : memref<1x128xi32, #tpu.memory_space<vmem>> -> memref<128xi32, #tpu.memory_space<vmem>>
    %dma_start3A_43 = arith.constant 0 : i32
    %dma_start3A_44 = arith.constant 0 : i32
    %dma_start3A_45 = tpu.memref_slice %arg5[%dma_start3A_43, %dma_start3A_44] : memref<1000000x64xf32, #tpu.memory_space<hbm>> -> memref<1000000x64xf32, #tpu.memory_space<hbm>>
    tpu.enqueue_indirect_dma source(%dma_start3A_45 : memref<1000000x64xf32, #tpu.memory_space<hbm>>) target(%dma_start3A_39 : memref<128x64xf32, #tpu.memory_space<vmem>>) offsets(%dma_start3A_42 : memref<128xi32, #tpu.memory_space<vmem>>) semaphore(%arg12 : memref<!tpu.dma_semaphore, #tpu.memory_space<semaphore_mem>>)
    %dma_wait3A = arith.constant 0 : i32
    %dma_wait3A_46 = arith.constant 0 : i32
    %dma_wait3A_47 = arith.constant 0 : i32
    %dma_wait3A_48 = tpu.memref_slice %arg11[%dma_wait3A_46, %dma_wait3A_47] : memref<512x64xf32, #tpu.memory_space<vmem>> -> memref<128x64xf32, #tpu.memory_space<vmem>>
    %dma_wait3A_49 = arith.constant 0 : i32
    %dma_wait3A_50 = tpu.memref_slice %arg10[%dma_wait3A, %dma_wait3A_49] : memref<4x128xi32, #tpu.memory_space<vmem>> -> memref<1x128xi32, #tpu.memory_space<vmem>>
    %dma_wait3A_51 = tpu.memref_squeeze %dma_wait3A_50 : memref<1x128xi32, #tpu.memory_space<vmem>> -> memref<128xi32, #tpu.memory_space<vmem>>
    %dma_wait3A_52 = arith.constant 0 : i32
    %dma_wait3A_53 = arith.constant 0 : i32
    %dma_wait3A_54 = tpu.memref_slice %arg5[%dma_wait3A_52, %dma_wait3A_53] : memref<1000000x64xf32, #tpu.memory_space<hbm>> -> memref<1000000x64xf32, #tpu.memory_space<hbm>>
    tpu.wait_indirect_dma semaphore(%arg12 : memref<!tpu.dma_semaphore, #tpu.memory_space<semaphore_mem>>) src(%dma_wait3A_54 : memref<1000000x64xf32, #tpu.memory_space<hbm>>) dst(%dma_wait3A_48 : memref<128x64xf32, #tpu.memory_space<vmem>>)
    %dma_wait3A_55 = arith.constant 1 : i32
    %dma_wait3A_56 = arith.constant 128 : i32
    %dma_wait3A_57 = arith.constant 0 : i32
    %dma_wait3A_58 = tpu.memref_slice %arg11[%dma_wait3A_56, %dma_wait3A_57] : memref<512x64xf32, #tpu.memory_space<vmem>> -> memref<128x64xf32, #tpu.memory_space<vmem>>
    %dma_wait3A_59 = arith.constant 0 : i32
    %dma_wait3A_60 = tpu.memref_slice %arg10[%dma_wait3A_55, %dma_wait3A_59] : memref<4x128xi32, #tpu.memory_space<vmem>> -> memref<1x128xi32, #tpu.memory_space<vmem>>
    %dma_wait3A_61 = tpu.memref_squeeze %dma_wait3A_60 : memref<1x128xi32, #tpu.memory_space<vmem>> -> memref<128xi32, #tpu.memory_space<vmem>>
    %dma_wait3A_62 = arith.constant 0 : i32
    %dma_wait3A_63 = arith.constant 0 : i32
    %dma_wait3A_64 = tpu.memref_slice %arg5[%dma_wait3A_62, %dma_wait3A_63] : memref<1000000x64xf32, #tpu.memory_space<hbm>> -> memref<1000000x64xf32, #tpu.memory_space<hbm>>
    tpu.wait_indirect_dma semaphore(%arg12 : memref<!tpu.dma_semaphore, #tpu.memory_space<semaphore_mem>>) src(%dma_wait3A_64 : memref<1000000x64xf32, #tpu.memory_space<hbm>>) dst(%dma_wait3A_58 : memref<128x64xf32, #tpu.memory_space<vmem>>)
    %dma_wait3A_65 = arith.constant 2 : i32
    %dma_wait3A_66 = arith.constant 256 : i32
    %dma_wait3A_67 = arith.constant 0 : i32
    %dma_wait3A_68 = tpu.memref_slice %arg11[%dma_wait3A_66, %dma_wait3A_67] : memref<512x64xf32, #tpu.memory_space<vmem>> -> memref<128x64xf32, #tpu.memory_space<vmem>>
    %dma_wait3A_69 = arith.constant 0 : i32
    %dma_wait3A_70 = tpu.memref_slice %arg10[%dma_wait3A_65, %dma_wait3A_69] : memref<4x128xi32, #tpu.memory_space<vmem>> -> memref<1x128xi32, #tpu.memory_space<vmem>>
    %dma_wait3A_71 = tpu.memref_squeeze %dma_wait3A_70 : memref<1x128xi32, #tpu.memory_space<vmem>> -> memref<128xi32, #tpu.memory_space<vmem>>
    %dma_wait3A_72 = arith.constant 0 : i32
    %dma_wait3A_73 = arith.constant 0 : i32
    %dma_wait3A_74 = tpu.memref_slice %arg5[%dma_wait3A_72, %dma_wait3A_73] : memref<1000000x64xf32, #tpu.memory_space<hbm>> -> memref<1000000x64xf32, #tpu.memory_space<hbm>>
    tpu.wait_indirect_dma semaphore(%arg12 : memref<!tpu.dma_semaphore, #tpu.memory_space<semaphore_mem>>) src(%dma_wait3A_74 : memref<1000000x64xf32, #tpu.memory_space<hbm>>) dst(%dma_wait3A_68 : memref<128x64xf32, #tpu.memory_space<vmem>>)
    %dma_wait3A_75 = arith.constant 3 : i32
    %dma_wait3A_76 = arith.constant 384 : i32
    %dma_wait3A_77 = arith.constant 0 : i32
    %dma_wait3A_78 = tpu.memref_slice %arg11[%dma_wait3A_76, %dma_wait3A_77] : memref<512x64xf32, #tpu.memory_space<vmem>> -> memref<128x64xf32, #tpu.memory_space<vmem>>
    %dma_wait3A_79 = arith.constant 0 : i32
    %dma_wait3A_80 = tpu.memref_slice %arg10[%dma_wait3A_75, %dma_wait3A_79] : memref<4x128xi32, #tpu.memory_space<vmem>> -> memref<1x128xi32, #tpu.memory_space<vmem>>
    %dma_wait3A_81 = tpu.memref_squeeze %dma_wait3A_80 : memref<1x128xi32, #tpu.memory_space<vmem>> -> memref<128xi32, #tpu.memory_space<vmem>>
    %dma_wait3A_82 = arith.constant 0 : i32
    %dma_wait3A_83 = arith.constant 0 : i32
    %dma_wait3A_84 = tpu.memref_slice %arg5[%dma_wait3A_82, %dma_wait3A_83] : memref<1000000x64xf32, #tpu.memory_space<hbm>> -> memref<1000000x64xf32, #tpu.memory_space<hbm>>
    tpu.wait_indirect_dma semaphore(%arg12 : memref<!tpu.dma_semaphore, #tpu.memory_space<semaphore_mem>>) src(%dma_wait3A_84 : memref<1000000x64xf32, #tpu.memory_space<hbm>>) dst(%dma_wait3A_78 : memref<128x64xf32, #tpu.memory_space<vmem>>)
    %mul3A_85 = arith.constant 128 : i32
    %mul3A_86 = arith.muli %add3A_6, %mul3A_85 : i32
    "tpu.region"() ({
      %run_scoped3A = tpu.sem_alloc : memref<!tpu.dma_semaphore, #tpu.memory_space<semaphore_mem>>
      %dma_start3A_186 = arith.constant 0 : i32
      %dma_start3A_187 = tpu.memref_slice %arg7[%mul3A_86, %dma_start3A_186] : memref<16384x64xf32, #tpu.memory_space<hbm>> -> memref<512x64xf32, #tpu.memory_space<hbm>>
      %dma_start3A_188 = arith.constant 0 : i32
      %dma_start3A_189 = tpu.memref_slice %arg7[%mul3A_86, %dma_start3A_188] : memref<16384x64xf32, #tpu.memory_space<hbm>> -> memref<512x64xf32, #tpu.memory_space<hbm>>
      tpu.enqueue_dma source(%arg11 : memref<512x64xf32, #tpu.memory_space<vmem>>) target(%dma_start3A_189 : memref<512x64xf32, #tpu.memory_space<hbm>>) target_semaphore(%run_scoped3A : memref<!tpu.dma_semaphore, #tpu.memory_space<semaphore_mem>>)
      %dma_wait3A_190 = arith.constant 0 : i32
      %dma_wait3A_191 = tpu.memref_slice %arg7[%mul3A_86, %dma_wait3A_190] : memref<16384x64xf32, #tpu.memory_space<hbm>> -> memref<512x64xf32, #tpu.memory_space<hbm>>
      %dma_wait3A_192 = arith.constant 0 : i32
      %dma_wait3A_193 = tpu.memref_slice %arg7[%mul3A_86, %dma_wait3A_192] : memref<16384x64xf32, #tpu.memory_space<hbm>> -> memref<512x64xf32, #tpu.memory_space<hbm>>
      tpu.wait_dma2 semaphore(%run_scoped3A : memref<!tpu.dma_semaphore, #tpu.memory_space<semaphore_mem>>) src(%arg11 : memref<512x64xf32, #tpu.memory_space<vmem>>) dst(%dma_wait3A_193 : memref<512x64xf32, #tpu.memory_space<hbm>>)
      tpu.yield
    }) : () -> ()
    %scan3A_87 = arith.constant 1 : i32
    %mul3A_88 = arith.constant 4 : i32
    %mul3A_89 = arith.muli %add3A, %mul3A_88 : i32
    %scan3A_90 = arith.constant 0 : i32
    %scan3A_91 = arith.constant 0 : i32
    %mul3A_92 = arith.constant 4 : i32
    %mul3A_93 = arith.muli %scan3A_91, %mul3A_92 : i32
    %add3A_94 = arith.addi %mul3A_89, %mul3A_93 : i32
    "tpu.region"() ({
      %run_scoped3A = tpu.sem_alloc : memref<!tpu.dma_semaphore, #tpu.memory_space<semaphore_mem>>
      %dma_start3A_186 = arith.constant 0 : i32
      %dma_start3A_187 = tpu.memref_slice %arg3[%add3A_94, %dma_start3A_186] : memref<128x128xi32, #tpu.memory_space<hbm>> -> memref<4x128xi32, #tpu.memory_space<hbm>>
      %dma_start3A_188 = arith.constant 0 : i32
      %dma_start3A_189 = tpu.memref_slice %arg3[%add3A_94, %dma_start3A_188] : memref<128x128xi32, #tpu.memory_space<hbm>> -> memref<4x128xi32, #tpu.memory_space<hbm>>
      tpu.enqueue_dma source(%dma_start3A_189 : memref<4x128xi32, #tpu.memory_space<hbm>>) target(%arg10 : memref<4x128xi32, #tpu.memory_space<vmem>>) target_semaphore(%run_scoped3A : memref<!tpu.dma_semaphore, #tpu.memory_space<semaphore_mem>>)
      %dma_wait3A_190 = arith.constant 0 : i32
      %dma_wait3A_191 = tpu.memref_slice %arg3[%add3A_94, %dma_wait3A_190] : memref<128x128xi32, #tpu.memory_space<hbm>> -> memref<4x128xi32, #tpu.memory_space<hbm>>
      %dma_wait3A_192 = arith.constant 0 : i32
      %dma_wait3A_193 = tpu.memref_slice %arg3[%add3A_94, %dma_wait3A_192] : memref<128x128xi32, #tpu.memory_space<hbm>> -> memref<4x128xi32, #tpu.memory_space<hbm>>
      tpu.wait_dma2 semaphore(%run_scoped3A : memref<!tpu.dma_semaphore, #tpu.memory_space<semaphore_mem>>) src(%dma_wait3A_193 : memref<4x128xi32, #tpu.memory_space<hbm>>) dst(%arg10 : memref<4x128xi32, #tpu.memory_space<vmem>>)
      tpu.yield
    }) : () -> ()
    %dma_start3A_95 = arith.constant 0 : i32
    %dma_start3A_96 = arith.constant 0 : i32
    %dma_start3A_97 = arith.constant 0 : i32
    %dma_start3A_98 = tpu.memref_slice %arg11[%dma_start3A_96, %dma_start3A_97] : memref<512x64xf32, #tpu.memory_space<vmem>> -> memref<128x64xf32, #tpu.memory_space<vmem>>
    %dma_start3A_99 = arith.constant 0 : i32
    %dma_start3A_100 = tpu.memref_slice %arg10[%dma_start3A_95, %dma_start3A_99] : memref<4x128xi32, #tpu.memory_space<vmem>> -> memref<1x128xi32, #tpu.memory_space<vmem>>
    %dma_start3A_101 = tpu.memref_squeeze %dma_start3A_100 : memref<1x128xi32, #tpu.memory_space<vmem>> -> memref<128xi32, #tpu.memory_space<vmem>>
    %dma_start3A_102 = arith.constant 0 : i32
    %dma_start3A_103 = arith.constant 0 : i32
    %dma_start3A_104 = tpu.memref_slice %arg6[%dma_start3A_102, %dma_start3A_103] : memref<1000000x64xf32, #tpu.memory_space<hbm>> -> memref<1000000x64xf32, #tpu.memory_space<hbm>>
    tpu.enqueue_indirect_dma source(%dma_start3A_104 : memref<1000000x64xf32, #tpu.memory_space<hbm>>) target(%dma_start3A_98 : memref<128x64xf32, #tpu.memory_space<vmem>>) offsets(%dma_start3A_101 : memref<128xi32, #tpu.memory_space<vmem>>) semaphore(%arg12 : memref<!tpu.dma_semaphore, #tpu.memory_space<semaphore_mem>>)
    %dma_start3A_105 = arith.constant 1 : i32
    %dma_start3A_106 = arith.constant 128 : i32
    %dma_start3A_107 = arith.constant 0 : i32
    %dma_start3A_108 = tpu.memref_slice %arg11[%dma_start3A_106, %dma_start3A_107] : memref<512x64xf32, #tpu.memory_space<vmem>> -> memref<128x64xf32, #tpu.memory_space<vmem>>
    %dma_start3A_109 = arith.constant 0 : i32
    %dma_start3A_110 = tpu.memref_slice %arg10[%dma_start3A_105, %dma_start3A_109] : memref<4x128xi32, #tpu.memory_space<vmem>> -> memref<1x128xi32, #tpu.memory_space<vmem>>
    %dma_start3A_111 = tpu.memref_squeeze %dma_start3A_110 : memref<1x128xi32, #tpu.memory_space<vmem>> -> memref<128xi32, #tpu.memory_space<vmem>>
    %dma_start3A_112 = arith.constant 0 : i32
    %dma_start3A_113 = arith.constant 0 : i32
    %dma_start3A_114 = tpu.memref_slice %arg6[%dma_start3A_112, %dma_start3A_113] : memref<1000000x64xf32, #tpu.memory_space<hbm>> -> memref<1000000x64xf32, #tpu.memory_space<hbm>>
    tpu.enqueue_indirect_dma source(%dma_start3A_114 : memref<1000000x64xf32, #tpu.memory_space<hbm>>) target(%dma_start3A_108 : memref<128x64xf32, #tpu.memory_space<vmem>>) offsets(%dma_start3A_111 : memref<128xi32, #tpu.memory_space<vmem>>) semaphore(%arg12 : memref<!tpu.dma_semaphore, #tpu.memory_space<semaphore_mem>>)
    %dma_start3A_115 = arith.constant 2 : i32
    %dma_start3A_116 = arith.constant 256 : i32
    %dma_start3A_117 = arith.constant 0 : i32
    %dma_start3A_118 = tpu.memref_slice %arg11[%dma_start3A_116, %dma_start3A_117] : memref<512x64xf32, #tpu.memory_space<vmem>> -> memref<128x64xf32, #tpu.memory_space<vmem>>
    %dma_start3A_119 = arith.constant 0 : i32
    %dma_start3A_120 = tpu.memref_slice %arg10[%dma_start3A_115, %dma_start3A_119] : memref<4x128xi32, #tpu.memory_space<vmem>> -> memref<1x128xi32, #tpu.memory_space<vmem>>
    %dma_start3A_121 = tpu.memref_squeeze %dma_start3A_120 : memref<1x128xi32, #tpu.memory_space<vmem>> -> memref<128xi32, #tpu.memory_space<vmem>>
    %dma_start3A_122 = arith.constant 0 : i32
    %dma_start3A_123 = arith.constant 0 : i32
    %dma_start3A_124 = tpu.memref_slice %arg6[%dma_start3A_122, %dma_start3A_123] : memref<1000000x64xf32, #tpu.memory_space<hbm>> -> memref<1000000x64xf32, #tpu.memory_space<hbm>>
    tpu.enqueue_indirect_dma source(%dma_start3A_124 : memref<1000000x64xf32, #tpu.memory_space<hbm>>) target(%dma_start3A_118 : memref<128x64xf32, #tpu.memory_space<vmem>>) offsets(%dma_start3A_121 : memref<128xi32, #tpu.memory_space<vmem>>) semaphore(%arg12 : memref<!tpu.dma_semaphore, #tpu.memory_space<semaphore_mem>>)
    %dma_start3A_125 = arith.constant 3 : i32
    %dma_start3A_126 = arith.constant 384 : i32
    %dma_start3A_127 = arith.constant 0 : i32
    %dma_start3A_128 = tpu.memref_slice %arg11[%dma_start3A_126, %dma_start3A_127] : memref<512x64xf32, #tpu.memory_space<vmem>> -> memref<128x64xf32, #tpu.memory_space<vmem>>
    %dma_start3A_129 = arith.constant 0 : i32
    %dma_start3A_130 = tpu.memref_slice %arg10[%dma_start3A_125, %dma_start3A_129] : memref<4x128xi32, #tpu.memory_space<vmem>> -> memref<1x128xi32, #tpu.memory_space<vmem>>
    %dma_start3A_131 = tpu.memref_squeeze %dma_start3A_130 : memref<1x128xi32, #tpu.memory_space<vmem>> -> memref<128xi32, #tpu.memory_space<vmem>>
    %dma_start3A_132 = arith.constant 0 : i32
    %dma_start3A_133 = arith.constant 0 : i32
    %dma_start3A_134 = tpu.memref_slice %arg6[%dma_start3A_132, %dma_start3A_133] : memref<1000000x64xf32, #tpu.memory_space<hbm>> -> memref<1000000x64xf32, #tpu.memory_space<hbm>>
    tpu.enqueue_indirect_dma source(%dma_start3A_134 : memref<1000000x64xf32, #tpu.memory_space<hbm>>) target(%dma_start3A_128 : memref<128x64xf32, #tpu.memory_space<vmem>>) offsets(%dma_start3A_131 : memref<128xi32, #tpu.memory_space<vmem>>) semaphore(%arg12 : memref<!tpu.dma_semaphore, #tpu.memory_space<semaphore_mem>>)
    %dma_wait3A_135 = arith.constant 0 : i32
    %dma_wait3A_136 = arith.constant 0 : i32
    %dma_wait3A_137 = arith.constant 0 : i32
    %dma_wait3A_138 = tpu.memref_slice %arg11[%dma_wait3A_136, %dma_wait3A_137] : memref<512x64xf32, #tpu.memory_space<vmem>> -> memref<128x64xf32, #tpu.memory_space<vmem>>
    %dma_wait3A_139 = arith.constant 0 : i32
    %dma_wait3A_140 = tpu.memref_slice %arg10[%dma_wait3A_135, %dma_wait3A_139] : memref<4x128xi32, #tpu.memory_space<vmem>> -> memref<1x128xi32, #tpu.memory_space<vmem>>
    %dma_wait3A_141 = tpu.memref_squeeze %dma_wait3A_140 : memref<1x128xi32, #tpu.memory_space<vmem>> -> memref<128xi32, #tpu.memory_space<vmem>>
    %dma_wait3A_142 = arith.constant 0 : i32
    %dma_wait3A_143 = arith.constant 0 : i32
    %dma_wait3A_144 = tpu.memref_slice %arg6[%dma_wait3A_142, %dma_wait3A_143] : memref<1000000x64xf32, #tpu.memory_space<hbm>> -> memref<1000000x64xf32, #tpu.memory_space<hbm>>
    tpu.wait_indirect_dma semaphore(%arg12 : memref<!tpu.dma_semaphore, #tpu.memory_space<semaphore_mem>>) src(%dma_wait3A_144 : memref<1000000x64xf32, #tpu.memory_space<hbm>>) dst(%dma_wait3A_138 : memref<128x64xf32, #tpu.memory_space<vmem>>)
    %dma_wait3A_145 = arith.constant 1 : i32
    %dma_wait3A_146 = arith.constant 128 : i32
    %dma_wait3A_147 = arith.constant 0 : i32
    %dma_wait3A_148 = tpu.memref_slice %arg11[%dma_wait3A_146, %dma_wait3A_147] : memref<512x64xf32, #tpu.memory_space<vmem>> -> memref<128x64xf32, #tpu.memory_space<vmem>>
    %dma_wait3A_149 = arith.constant 0 : i32
    %dma_wait3A_150 = tpu.memref_slice %arg10[%dma_wait3A_145, %dma_wait3A_149] : memref<4x128xi32, #tpu.memory_space<vmem>> -> memref<1x128xi32, #tpu.memory_space<vmem>>
    %dma_wait3A_151 = tpu.memref_squeeze %dma_wait3A_150 : memref<1x128xi32, #tpu.memory_space<vmem>> -> memref<128xi32, #tpu.memory_space<vmem>>
    %dma_wait3A_152 = arith.constant 0 : i32
    %dma_wait3A_153 = arith.constant 0 : i32
    %dma_wait3A_154 = tpu.memref_slice %arg6[%dma_wait3A_152, %dma_wait3A_153] : memref<1000000x64xf32, #tpu.memory_space<hbm>> -> memref<1000000x64xf32, #tpu.memory_space<hbm>>
    tpu.wait_indirect_dma semaphore(%arg12 : memref<!tpu.dma_semaphore, #tpu.memory_space<semaphore_mem>>) src(%dma_wait3A_154 : memref<1000000x64xf32, #tpu.memory_space<hbm>>) dst(%dma_wait3A_148 : memref<128x64xf32, #tpu.memory_space<vmem>>)
    %dma_wait3A_155 = arith.constant 2 : i32
    %dma_wait3A_156 = arith.constant 256 : i32
    %dma_wait3A_157 = arith.constant 0 : i32
    %dma_wait3A_158 = tpu.memref_slice %arg11[%dma_wait3A_156, %dma_wait3A_157] : memref<512x64xf32, #tpu.memory_space<vmem>> -> memref<128x64xf32, #tpu.memory_space<vmem>>
    %dma_wait3A_159 = arith.constant 0 : i32
    %dma_wait3A_160 = tpu.memref_slice %arg10[%dma_wait3A_155, %dma_wait3A_159] : memref<4x128xi32, #tpu.memory_space<vmem>> -> memref<1x128xi32, #tpu.memory_space<vmem>>
    %dma_wait3A_161 = tpu.memref_squeeze %dma_wait3A_160 : memref<1x128xi32, #tpu.memory_space<vmem>> -> memref<128xi32, #tpu.memory_space<vmem>>
    %dma_wait3A_162 = arith.constant 0 : i32
    %dma_wait3A_163 = arith.constant 0 : i32
    %dma_wait3A_164 = tpu.memref_slice %arg6[%dma_wait3A_162, %dma_wait3A_163] : memref<1000000x64xf32, #tpu.memory_space<hbm>> -> memref<1000000x64xf32, #tpu.memory_space<hbm>>
    tpu.wait_indirect_dma semaphore(%arg12 : memref<!tpu.dma_semaphore, #tpu.memory_space<semaphore_mem>>) src(%dma_wait3A_164 : memref<1000000x64xf32, #tpu.memory_space<hbm>>) dst(%dma_wait3A_158 : memref<128x64xf32, #tpu.memory_space<vmem>>)
    %dma_wait3A_165 = arith.constant 3 : i32
    %dma_wait3A_166 = arith.constant 384 : i32
    %dma_wait3A_167 = arith.constant 0 : i32
    %dma_wait3A_168 = tpu.memref_slice %arg11[%dma_wait3A_166, %dma_wait3A_167] : memref<512x64xf32, #tpu.memory_space<vmem>> -> memref<128x64xf32, #tpu.memory_space<vmem>>
    %dma_wait3A_169 = arith.constant 0 : i32
    %dma_wait3A_170 = tpu.memref_slice %arg10[%dma_wait3A_165, %dma_wait3A_169] : memref<4x128xi32, #tpu.memory_space<vmem>> -> memref<1x128xi32, #tpu.memory_space<vmem>>
    %dma_wait3A_171 = tpu.memref_squeeze %dma_wait3A_170 : memref<1x128xi32, #tpu.memory_space<vmem>> -> memref<128xi32, #tpu.memory_space<vmem>>
    %dma_wait3A_172 = arith.constant 0 : i32
    %dma_wait3A_173 = arith.constant 0 : i32
    %dma_wait3A_174 = tpu.memref_slice %arg6[%dma_wait3A_172, %dma_wait3A_173] : memref<1000000x64xf32, #tpu.memory_space<hbm>> -> memref<1000000x64xf32, #tpu.memory_space<hbm>>
    tpu.wait_indirect_dma semaphore(%arg12 : memref<!tpu.dma_semaphore, #tpu.memory_space<semaphore_mem>>) src(%dma_wait3A_174 : memref<1000000x64xf32, #tpu.memory_space<hbm>>) dst(%dma_wait3A_168 : memref<128x64xf32, #tpu.memory_space<vmem>>)
    %mul3A_175 = arith.constant 128 : i32
    %mul3A_176 = arith.muli %add3A_94, %mul3A_175 : i32
    "tpu.region"() ({
      %run_scoped3A = tpu.sem_alloc : memref<!tpu.dma_semaphore, #tpu.memory_space<semaphore_mem>>
      %dma_start3A_186 = arith.constant 0 : i32
      %dma_start3A_187 = tpu.memref_slice %arg8[%mul3A_176, %dma_start3A_186] : memref<16384x64xf32, #tpu.memory_space<hbm>> -> memref<512x64xf32, #tpu.memory_space<hbm>>
      %dma_start3A_188 = arith.constant 0 : i32
      %dma_start3A_189 = tpu.memref_slice %arg8[%mul3A_176, %dma_start3A_188] : memref<16384x64xf32, #tpu.memory_space<hbm>> -> memref<512x64xf32, #tpu.memory_space<hbm>>
      tpu.enqueue_dma source(%arg11 : memref<512x64xf32, #tpu.memory_space<vmem>>) target(%dma_start3A_189 : memref<512x64xf32, #tpu.memory_space<hbm>>) target_semaphore(%run_scoped3A : memref<!tpu.dma_semaphore, #tpu.memory_space<semaphore_mem>>)
      %dma_wait3A_190 = arith.constant 0 : i32
      %dma_wait3A_191 = tpu.memref_slice %arg8[%mul3A_176, %dma_wait3A_190] : memref<16384x64xf32, #tpu.memory_space<hbm>> -> memref<512x64xf32, #tpu.memory_space<hbm>>
      %dma_wait3A_192 = arith.constant 0 : i32
      %dma_wait3A_193 = tpu.memref_slice %arg8[%mul3A_176, %dma_wait3A_192] : memref<16384x64xf32, #tpu.memory_space<hbm>> -> memref<512x64xf32, #tpu.memory_space<hbm>>
      tpu.wait_dma2 semaphore(%run_scoped3A : memref<!tpu.dma_semaphore, #tpu.memory_space<semaphore_mem>>) src(%arg11 : memref<512x64xf32, #tpu.memory_space<vmem>>) dst(%dma_wait3A_193 : memref<512x64xf32, #tpu.memory_space<hbm>>)
      tpu.yield
    }) : () -> ()
    %scan3A_177 = arith.constant 1 : i32
    %mul3A_178 = arith.constant 80 : i32
    %mul3A_179 = arith.muli %add3A, %mul3A_178 : i32
    %scan3A_180 = arith.constant 0 : i32
    %scan3A_181 = arith.constant 0 : i32
    %scan3A_182 = arith.constant 20 : i32
    %scan3A_183 = arith.addi %scan3A_181, %scan3A_182 : i32
    %scan3A_184 = arith.constant 1 : i32
    scf.for %scan3A_186 = %scan3A_181 to %scan3A_183 step %scan3A_184  : i32 {
      %mul3A_187 = arith.constant 4 : i32
      %mul3A_188 = arith.muli %scan3A_186, %mul3A_187 : i32
      %add3A_189 = arith.addi %mul3A_179, %mul3A_188 : i32
      "tpu.region"() ({
        %run_scoped3A = tpu.sem_alloc : memref<!tpu.dma_semaphore, #tpu.memory_space<semaphore_mem>>
        %dma_start3A_272 = arith.constant 0 : i32
        %dma_start3A_273 = tpu.memref_slice %arg4[%add3A_189, %dma_start3A_272] : memref<2560x128xi32, #tpu.memory_space<hbm>> -> memref<4x128xi32, #tpu.memory_space<hbm>>
        %dma_start3A_274 = arith.constant 0 : i32
        %dma_start3A_275 = tpu.memref_slice %arg4[%add3A_189, %dma_start3A_274] : memref<2560x128xi32, #tpu.memory_space<hbm>> -> memref<4x128xi32, #tpu.memory_space<hbm>>
        tpu.enqueue_dma source(%dma_start3A_275 : memref<4x128xi32, #tpu.memory_space<hbm>>) target(%arg10 : memref<4x128xi32, #tpu.memory_space<vmem>>) target_semaphore(%run_scoped3A : memref<!tpu.dma_semaphore, #tpu.memory_space<semaphore_mem>>)
        %dma_wait3A_276 = arith.constant 0 : i32
        %dma_wait3A_277 = tpu.memref_slice %arg4[%add3A_189, %dma_wait3A_276] : memref<2560x128xi32, #tpu.memory_space<hbm>> -> memref<4x128xi32, #tpu.memory_space<hbm>>
        %dma_wait3A_278 = arith.constant 0 : i32
        %dma_wait3A_279 = tpu.memref_slice %arg4[%add3A_189, %dma_wait3A_278] : memref<2560x128xi32, #tpu.memory_space<hbm>> -> memref<4x128xi32, #tpu.memory_space<hbm>>
        tpu.wait_dma2 semaphore(%run_scoped3A : memref<!tpu.dma_semaphore, #tpu.memory_space<semaphore_mem>>) src(%dma_wait3A_279 : memref<4x128xi32, #tpu.memory_space<hbm>>) dst(%arg10 : memref<4x128xi32, #tpu.memory_space<vmem>>)
        tpu.yield
      }) : () -> ()
      %dma_start3A_190 = arith.constant 0 : i32
      %dma_start3A_191 = arith.constant 0 : i32
      %dma_start3A_192 = arith.constant 0 : i32
      %dma_start3A_193 = tpu.memref_slice %arg11[%dma_start3A_191, %dma_start3A_192] : memref<512x64xf32, #tpu.memory_space<vmem>> -> memref<128x64xf32, #tpu.memory_space<vmem>>
      %dma_start3A_194 = arith.constant 0 : i32
      %dma_start3A_195 = tpu.memref_slice %arg10[%dma_start3A_190, %dma_start3A_194] : memref<4x128xi32, #tpu.memory_space<vmem>> -> memref<1x128xi32, #tpu.memory_space<vmem>>
      %dma_start3A_196 = tpu.memref_squeeze %dma_start3A_195 : memref<1x128xi32, #tpu.memory_space<vmem>> -> memref<128xi32, #tpu.memory_space<vmem>>
      %dma_start3A_197 = arith.constant 0 : i32
      %dma_start3A_198 = arith.constant 0 : i32
      %dma_start3A_199 = tpu.memref_slice %arg6[%dma_start3A_197, %dma_start3A_198] : memref<1000000x64xf32, #tpu.memory_space<hbm>> -> memref<1000000x64xf32, #tpu.memory_space<hbm>>
      tpu.enqueue_indirect_dma source(%dma_start3A_199 : memref<1000000x64xf32, #tpu.memory_space<hbm>>) target(%dma_start3A_193 : memref<128x64xf32, #tpu.memory_space<vmem>>) offsets(%dma_start3A_196 : memref<128xi32, #tpu.memory_space<vmem>>) semaphore(%arg12 : memref<!tpu.dma_semaphore, #tpu.memory_space<semaphore_mem>>)
      %dma_start3A_200 = arith.constant 1 : i32
      %dma_start3A_201 = arith.constant 128 : i32
      %dma_start3A_202 = arith.constant 0 : i32
      %dma_start3A_203 = tpu.memref_slice %arg11[%dma_start3A_201, %dma_start3A_202] : memref<512x64xf32, #tpu.memory_space<vmem>> -> memref<128x64xf32, #tpu.memory_space<vmem>>
      %dma_start3A_204 = arith.constant 0 : i32
      %dma_start3A_205 = tpu.memref_slice %arg10[%dma_start3A_200, %dma_start3A_204] : memref<4x128xi32, #tpu.memory_space<vmem>> -> memref<1x128xi32, #tpu.memory_space<vmem>>
      %dma_start3A_206 = tpu.memref_squeeze %dma_start3A_205 : memref<1x128xi32, #tpu.memory_space<vmem>> -> memref<128xi32, #tpu.memory_space<vmem>>
      %dma_start3A_207 = arith.constant 0 : i32
      %dma_start3A_208 = arith.constant 0 : i32
      %dma_start3A_209 = tpu.memref_slice %arg6[%dma_start3A_207, %dma_start3A_208] : memref<1000000x64xf32, #tpu.memory_space<hbm>> -> memref<1000000x64xf32, #tpu.memory_space<hbm>>
      tpu.enqueue_indirect_dma source(%dma_start3A_209 : memref<1000000x64xf32, #tpu.memory_space<hbm>>) target(%dma_start3A_203 : memref<128x64xf32, #tpu.memory_space<vmem>>) offsets(%dma_start3A_206 : memref<128xi32, #tpu.memory_space<vmem>>) semaphore(%arg12 : memref<!tpu.dma_semaphore, #tpu.memory_space<semaphore_mem>>)
      %dma_start3A_210 = arith.constant 2 : i32
      %dma_start3A_211 = arith.constant 256 : i32
      %dma_start3A_212 = arith.constant 0 : i32
      %dma_start3A_213 = tpu.memref_slice %arg11[%dma_start3A_211, %dma_start3A_212] : memref<512x64xf32, #tpu.memory_space<vmem>> -> memref<128x64xf32, #tpu.memory_space<vmem>>
      %dma_start3A_214 = arith.constant 0 : i32
      %dma_start3A_215 = tpu.memref_slice %arg10[%dma_start3A_210, %dma_start3A_214] : memref<4x128xi32, #tpu.memory_space<vmem>> -> memref<1x128xi32, #tpu.memory_space<vmem>>
      %dma_start3A_216 = tpu.memref_squeeze %dma_start3A_215 : memref<1x128xi32, #tpu.memory_space<vmem>> -> memref<128xi32, #tpu.memory_space<vmem>>
      %dma_start3A_217 = arith.constant 0 : i32
      %dma_start3A_218 = arith.constant 0 : i32
      %dma_start3A_219 = tpu.memref_slice %arg6[%dma_start3A_217, %dma_start3A_218] : memref<1000000x64xf32, #tpu.memory_space<hbm>> -> memref<1000000x64xf32, #tpu.memory_space<hbm>>
      tpu.enqueue_indirect_dma source(%dma_start3A_219 : memref<1000000x64xf32, #tpu.memory_space<hbm>>) target(%dma_start3A_213 : memref<128x64xf32, #tpu.memory_space<vmem>>) offsets(%dma_start3A_216 : memref<128xi32, #tpu.memory_space<vmem>>) semaphore(%arg12 : memref<!tpu.dma_semaphore, #tpu.memory_space<semaphore_mem>>)
      %dma_start3A_220 = arith.constant 3 : i32
      %dma_start3A_221 = arith.constant 384 : i32
      %dma_start3A_222 = arith.constant 0 : i32
      %dma_start3A_223 = tpu.memref_slice %arg11[%dma_start3A_221, %dma_start3A_222] : memref<512x64xf32, #tpu.memory_space<vmem>> -> memref<128x64xf32, #tpu.memory_space<vmem>>
      %dma_start3A_224 = arith.constant 0 : i32
      %dma_start3A_225 = tpu.memref_slice %arg10[%dma_start3A_220, %dma_start3A_224] : memref<4x128xi32, #tpu.memory_space<vmem>> -> memref<1x128xi32, #tpu.memory_space<vmem>>
      %dma_start3A_226 = tpu.memref_squeeze %dma_start3A_225 : memref<1x128xi32, #tpu.memory_space<vmem>> -> memref<128xi32, #tpu.memory_space<vmem>>
      %dma_start3A_227 = arith.constant 0 : i32
      %dma_start3A_228 = arith.constant 0 : i32
      %dma_start3A_229 = tpu.memref_slice %arg6[%dma_start3A_227, %dma_start3A_228] : memref<1000000x64xf32, #tpu.memory_space<hbm>> -> memref<1000000x64xf32, #tpu.memory_space<hbm>>
      tpu.enqueue_indirect_dma source(%dma_start3A_229 : memref<1000000x64xf32, #tpu.memory_space<hbm>>) target(%dma_start3A_223 : memref<128x64xf32, #tpu.memory_space<vmem>>) offsets(%dma_start3A_226 : memref<128xi32, #tpu.memory_space<vmem>>) semaphore(%arg12 : memref<!tpu.dma_semaphore, #tpu.memory_space<semaphore_mem>>)
      %dma_wait3A_230 = arith.constant 0 : i32
      %dma_wait3A_231 = arith.constant 0 : i32
      %dma_wait3A_232 = arith.constant 0 : i32
      %dma_wait3A_233 = tpu.memref_slice %arg11[%dma_wait3A_231, %dma_wait3A_232] : memref<512x64xf32, #tpu.memory_space<vmem>> -> memref<128x64xf32, #tpu.memory_space<vmem>>
      %dma_wait3A_234 = arith.constant 0 : i32
      %dma_wait3A_235 = tpu.memref_slice %arg10[%dma_wait3A_230, %dma_wait3A_234] : memref<4x128xi32, #tpu.memory_space<vmem>> -> memref<1x128xi32, #tpu.memory_space<vmem>>
      %dma_wait3A_236 = tpu.memref_squeeze %dma_wait3A_235 : memref<1x128xi32, #tpu.memory_space<vmem>> -> memref<128xi32, #tpu.memory_space<vmem>>
      %dma_wait3A_237 = arith.constant 0 : i32
      %dma_wait3A_238 = arith.constant 0 : i32
      %dma_wait3A_239 = tpu.memref_slice %arg6[%dma_wait3A_237, %dma_wait3A_238] : memref<1000000x64xf32, #tpu.memory_space<hbm>> -> memref<1000000x64xf32, #tpu.memory_space<hbm>>
      tpu.wait_indirect_dma semaphore(%arg12 : memref<!tpu.dma_semaphore, #tpu.memory_space<semaphore_mem>>) src(%dma_wait3A_239 : memref<1000000x64xf32, #tpu.memory_space<hbm>>) dst(%dma_wait3A_233 : memref<128x64xf32, #tpu.memory_space<vmem>>)
      %dma_wait3A_240 = arith.constant 1 : i32
      %dma_wait3A_241 = arith.constant 128 : i32
      %dma_wait3A_242 = arith.constant 0 : i32
      %dma_wait3A_243 = tpu.memref_slice %arg11[%dma_wait3A_241, %dma_wait3A_242] : memref<512x64xf32, #tpu.memory_space<vmem>> -> memref<128x64xf32, #tpu.memory_space<vmem>>
      %dma_wait3A_244 = arith.constant 0 : i32
      %dma_wait3A_245 = tpu.memref_slice %arg10[%dma_wait3A_240, %dma_wait3A_244] : memref<4x128xi32, #tpu.memory_space<vmem>> -> memref<1x128xi32, #tpu.memory_space<vmem>>
      %dma_wait3A_246 = tpu.memref_squeeze %dma_wait3A_245 : memref<1x128xi32, #tpu.memory_space<vmem>> -> memref<128xi32, #tpu.memory_space<vmem>>
      %dma_wait3A_247 = arith.constant 0 : i32
      %dma_wait3A_248 = arith.constant 0 : i32
      %dma_wait3A_249 = tpu.memref_slice %arg6[%dma_wait3A_247, %dma_wait3A_248] : memref<1000000x64xf32, #tpu.memory_space<hbm>> -> memref<1000000x64xf32, #tpu.memory_space<hbm>>
      tpu.wait_indirect_dma semaphore(%arg12 : memref<!tpu.dma_semaphore, #tpu.memory_space<semaphore_mem>>) src(%dma_wait3A_249 : memref<1000000x64xf32, #tpu.memory_space<hbm>>) dst(%dma_wait3A_243 : memref<128x64xf32, #tpu.memory_space<vmem>>)
      %dma_wait3A_250 = arith.constant 2 : i32
      %dma_wait3A_251 = arith.constant 256 : i32
      %dma_wait3A_252 = arith.constant 0 : i32
      %dma_wait3A_253 = tpu.memref_slice %arg11[%dma_wait3A_251, %dma_wait3A_252] : memref<512x64xf32, #tpu.memory_space<vmem>> -> memref<128x64xf32, #tpu.memory_space<vmem>>
      %dma_wait3A_254 = arith.constant 0 : i32
      %dma_wait3A_255 = tpu.memref_slice %arg10[%dma_wait3A_250, %dma_wait3A_254] : memref<4x128xi32, #tpu.memory_space<vmem>> -> memref<1x128xi32, #tpu.memory_space<vmem>>
      %dma_wait3A_256 = tpu.memref_squeeze %dma_wait3A_255 : memref<1x128xi32, #tpu.memory_space<vmem>> -> memref<128xi32, #tpu.memory_space<vmem>>
      %dma_wait3A_257 = arith.constant 0 : i32
      %dma_wait3A_258 = arith.constant 0 : i32
      %dma_wait3A_259 = tpu.memref_slice %arg6[%dma_wait3A_257, %dma_wait3A_258] : memref<1000000x64xf32, #tpu.memory_space<hbm>> -> memref<1000000x64xf32, #tpu.memory_space<hbm>>
      tpu.wait_indirect_dma semaphore(%arg12 : memref<!tpu.dma_semaphore, #tpu.memory_space<semaphore_mem>>) src(%dma_wait3A_259 : memref<1000000x64xf32, #tpu.memory_space<hbm>>) dst(%dma_wait3A_253 : memref<128x64xf32, #tpu.memory_space<vmem>>)
      %dma_wait3A_260 = arith.constant 3 : i32
      %dma_wait3A_261 = arith.constant 384 : i32
      %dma_wait3A_262 = arith.constant 0 : i32
      %dma_wait3A_263 = tpu.memref_slice %arg11[%dma_wait3A_261, %dma_wait3A_262] : memref<512x64xf32, #tpu.memory_space<vmem>> -> memref<128x64xf32, #tpu.memory_space<vmem>>
      %dma_wait3A_264 = arith.constant 0 : i32
      %dma_wait3A_265 = tpu.memref_slice %arg10[%dma_wait3A_260, %dma_wait3A_264] : memref<4x128xi32, #tpu.memory_space<vmem>> -> memref<1x128xi32, #tpu.memory_space<vmem>>
      %dma_wait3A_266 = tpu.memref_squeeze %dma_wait3A_265 : memref<1x128xi32, #tpu.memory_space<vmem>> -> memref<128xi32, #tpu.memory_space<vmem>>
      %dma_wait3A_267 = arith.constant 0 : i32
      %dma_wait3A_268 = arith.constant 0 : i32
      %dma_wait3A_269 = tpu.memref_slice %arg6[%dma_wait3A_267, %dma_wait3A_268] : memref<1000000x64xf32, #tpu.memory_space<hbm>> -> memref<1000000x64xf32, #tpu.memory_space<hbm>>
      tpu.wait_indirect_dma semaphore(%arg12 : memref<!tpu.dma_semaphore, #tpu.memory_space<semaphore_mem>>) src(%dma_wait3A_269 : memref<1000000x64xf32, #tpu.memory_space<hbm>>) dst(%dma_wait3A_263 : memref<128x64xf32, #tpu.memory_space<vmem>>)
      %mul3A_270 = arith.constant 128 : i32
      %mul3A_271 = arith.muli %add3A_189, %mul3A_270 : i32
      "tpu.region"() ({
        %run_scoped3A = tpu.sem_alloc : memref<!tpu.dma_semaphore, #tpu.memory_space<semaphore_mem>>
        %dma_start3A_272 = arith.constant 0 : i32
        %dma_start3A_273 = tpu.memref_slice %arg9[%mul3A_271, %dma_start3A_272] : memref<327680x64xf32, #tpu.memory_space<hbm>> -> memref<512x64xf32, #tpu.memory_space<hbm>>
        %dma_start3A_274 = arith.constant 0 : i32
        %dma_start3A_275 = tpu.memref_slice %arg9[%mul3A_271, %dma_start3A_274] : memref<327680x64xf32, #tpu.memory_space<hbm>> -> memref<512x64xf32, #tpu.memory_space<hbm>>
        tpu.enqueue_dma source(%arg11 : memref<512x64xf32, #tpu.memory_space<vmem>>) target(%dma_start3A_275 : memref<512x64xf32, #tpu.memory_space<hbm>>) target_semaphore(%run_scoped3A : memref<!tpu.dma_semaphore, #tpu.memory_space<semaphore_mem>>)
        %dma_wait3A_276 = arith.constant 0 : i32
        %dma_wait3A_277 = tpu.memref_slice %arg9[%mul3A_271, %dma_wait3A_276] : memref<327680x64xf32, #tpu.memory_space<hbm>> -> memref<512x64xf32, #tpu.memory_space<hbm>>
        %dma_wait3A_278 = arith.constant 0 : i32
        %dma_wait3A_279 = tpu.memref_slice %arg9[%mul3A_271, %dma_wait3A_278] : memref<327680x64xf32, #tpu.memory_space<hbm>> -> memref<512x64xf32, #tpu.memory_space<hbm>>
        tpu.wait_dma2 semaphore(%run_scoped3A : memref<!tpu.dma_semaphore, #tpu.memory_space<semaphore_mem>>) src(%arg11 : memref<512x64xf32, #tpu.memory_space<vmem>>) dst(%dma_wait3A_279 : memref<512x64xf32, #tpu.memory_space<hbm>>)
        tpu.yield
      }) : () -> ()
    }
    %scan3A_185 = arith.constant 20 : i32
    return
  }
}

</mosaic_0001>

<sc_bundles>
// kernel: kernel.3.cloned.1.call-start
scs
__scs_entry_jumppad:
0x0: {  	(pc) =	sbr.rel $0x88, $3  }
0x1: {  	(tag) =	ssettag $0x0;
	lr =	simm.s32 $0x1  }
0x2: {  	[smem:$0x3F9C] =	sst lr;
	_ =	strace $0xD0000000  }
0x3: {  	_ = 	snop  }
0x4: {  	_ = 	snop  }
0x5: {  	_ = 	snop  }
0x6: {  	_ = 	snop  }
0x7: {  	_ = 	snop  }
__scs_overlays_trampoline_lowered:
0x8: {  	[smem:$0x3FAB] =	sst s0  }
0x9: {  	[smem:$0x3FAC] =	sst s1  }
0xa: {  	[smem:$0x3FAD] =	sst s2  }
0xb: {  	[smem:$0x3FAE] =	sst s3  }
0xc: {  	[smem:$0x3FAF] =	sst s4  }
0xd: {  	[smem:$0x3FB0] =	sst s5  }
0xe: {  	[smem:$0x3FB1] =	sst s6  }
0xf: {  	[smem:$0x3FB2] =	sst s7  }
0x10: {  	[smem:$0x3FB3] =	sst s8  }
0x11: {  	[smem:$0x3FB4] =	sst s9;
	s0 =	simm.s32 @!p0 $0x0  }
0x12: {  	s1 =	sld [smem:$0x3F9A];
	s0 =	simm.s32 @p0 $0x1  }
0x13: {  	[smem:$0x3FB5] =	sst s0;
	s0 =	simm.s32 @!p1 $0x0  }
0x14: {  	s2 =	sld [smem:$0x3F99];
	s0 =	simm.s32 @p1 $0x1  }
0x15: {  	[smem:$0x3FB6] =	sst s0;
	s0 =	simm.s32 @!p2 $0x0  }
0x16: {  	s3 =	sld [smem:$0x3FDB];
	s0 =	simm.s32 @p2 $0x1  }
0x17: {  	s4 =	simm.s32 $0x1BF5;
	[smem:$0x3FB8] =	sst s0  }
0x18: {  	s0 =	sld [smem:$0x3F9B];
	_ =	swait.ge [sflag:s4], $0x0  }
0x19: {  	s7 =	sld [smem:$0x3F9C]  }
0x1a: {  	s8 =	sadd.s32 $0xFFFFE003, lr  }
0x1b: {  	s9 =	sadd.s32 $0xFFFFFEF7, lr;
	s5 =	simm.s32 $0xFFFFFFFF;
	p2 =	slt.u32 s8, $0xFFFFF086  }
0x1c: {  	p1 =	slt.u32 s9, $0xF7A;
	s5 =	simm.s32 @!p2 $0x0  }
0x1d: {  	s5 =	simm.s32 @p1 $0x1;
	p0 =	seq.s32 s7, s2  }
0x1e: {  	s7 =	smul.u32 @!p0 $0xF7A, s2;
	p2 =	seq.s32 @!p0 s5, $0x0  }
0x1f: {  	s9 =	smul.u32 $0xF7A, s1;
	s8 =	simm.s32 @!p0 $0x1BF5;
	p2 =	por !p2, p0  }
0x20: {  	[sflag:s8] =	ssyncset.s32 @!p0 $0xFFFFF086;
	s6 =	sadd.s32 @!p0 s3, s7;
	s7 =	simm.s32 @!p0 $0x108  }
0x21: {  	s3 =	sadd.s32 s3, s9;
	s6 =	sadd.s32 @!p0 $0x88, s6;
	s7 =	simm.s32 @p2 $0x1082  }
0x22: {  	[simem:s7], [sflag:s8] =	dma.local @!p0 [hbm:s6], $0xF7A  }
0x23: {  	s9 =	sor.u32 $0xD0000000, s2;
	s6 =	simm.s32 $0x108;
	_ =	swait.ge @!p0 [sflag:s8], $0x0  }
0x24: {  	s3 =	sadd.s32 $0x88, s3;
	s6 =	simm.s32 @!p1 $0x1082;
	[sflag:s4] =	ssyncset.s32 $0xFFFFF086  }
0x25: {  	[simem:s6], [sflag:s4] =	dma.local [hbm:s3], $0xF7A  }
0x26: {  	[smem:$0x3F9C] =	sst s1;
	(tag) =	ssettag s2;
	_ =	strace s9  }
0x27: {  	s1 =	sld [smem:$0x3FAC]  }
0x28: {  	s2 =	sld [smem:$0x3FAD]  }
0x29: {  	s4 =	sld [smem:$0x3FAF]  }
0x2a: {  	p0 =	seq.s32 s5, $0x0;
	s5 =	sld [smem:$0x3FB0]  }
0x2b: {  	s6 =	sld [smem:$0x3FB1]  }
0x2c: {  	s7 =	sld [smem:$0x3FB2]  }
0x2d: {  	s3 =	simm.s32 $0x108;
	s8 =	sld [smem:$0x3FB3]  }
0x2e: {  	s3 =	simm.s32 @!p0 $0x1082;
	s9 =	sld [smem:$0x3FB4]  }
0x2f: {  	lr =	sadd.s32 s0, s3;
	s0 =	sld [smem:$0x3FAB]  }
0x30: {  	s3 =	sld [smem:$0x3FAE]  }
0x31: {  	[smem:$0x3FB7] =	sst s10  }
0x32: {  	s10 =	sld [smem:$0x3FB5];
	_ =	sdelay $0x3  }
0x33: {  	p0 =	seq.s32 s10, $0x1;
	s10 =	sld [smem:$0x3FB7];
	_ =	sdelay $0x3  }
0x34: {  	[smem:$0x3FB7] =	sst s10  }
0x35: {  	s10 =	sld [smem:$0x3FB6];
	_ =	sdelay $0x3  }
0x36: {  	p1 =	seq.s32 s10, $0x1;
	s10 =	sld [smem:$0x3FB7];
	_ =	sdelay $0x3  }
0x37: {  	[smem:$0x3FB7] =	sst s10  }
0x38: {  	s10 =	sld [smem:$0x3FB8]  }
0x39: {  	_ = 	snop;
	(pc) =	sbr.ind lr, $3  }
0x3a: {  	_ = 	snop  }
0x3b: {  	_ = 	snop  }
0x3c: {  	p2 =	seq.s32 s10, $0x1;
	s10 =	sld [smem:$0x3FB7]  }
0x3d: {  	_ =	shalt  }
0x3e: {  	_ =	shalt  }
0x3f: {  	_ =	shalt  }
0x40: {  	_ =	shalt  }
0x41: {  	_ =	shalt  }
0x42: {  	_ =	shalt  }
0x43: {  	_ =	shalt  }
0x44: {  	_ =	shalt  }
0x45: {  	_ =	shalt  }
0x46: {  	_ =	shalt  }
0x47: {  	_ =	shalt  }
0x48: {  	_ =	shalt  }
0x49: {  	_ =	shalt  }
0x4a: {  	_ =	shalt  }
0x4b: {  	_ =	shalt  }
0x4c: {  	_ =	shalt  }
0x4d: {  	_ =	shalt  }
0x4e: {  	_ =	shalt  }
0x4f: {  	_ =	shalt  }
0x50: {  	_ =	shalt  }
0x51: {  	_ =	shalt  }
0x52: {  	_ =	shalt  }
0x53: {  	_ =	shalt  }
0x54: {  	_ =	shalt  }
0x55: {  	_ =	shalt  }
0x56: {  	_ =	shalt  }
0x57: {  	_ =	shalt  }
0x58: {  	_ =	shalt  }
0x59: {  	_ =	shalt  }
0x5a: {  	_ =	shalt  }
0x5b: {  	_ =	shalt  }
0x5c: {  	_ =	shalt  }
0x5d: {  	_ =	shalt  }
0x5e: {  	_ =	shalt  }
0x5f: {  	_ =	shalt  }
0x60: {  	_ =	shalt  }
0x61: {  	_ =	shalt  }
0x62: {  	_ =	shalt  }
0x63: {  	_ =	shalt  }
0x64: {  	_ =	shalt  }
0x65: {  	_ =	shalt  }
0x66: {  	_ =	shalt  }
0x67: {  	_ =	shalt  }
0x68: {  	_ =	shalt  }
0x69: {  	_ =	shalt  }
0x6a: {  	_ =	shalt  }
0x6b: {  	_ =	shalt  }
0x6c: {  	_ =	shalt  }
0x6d: {  	_ =	shalt  }
0x6e: {  	_ =	shalt  }
0x6f: {  	_ =	shalt  }
0x70: {  	_ =	shalt  }
0x71: {  	_ =	shalt  }
0x72: {  	_ =	shalt  }
0x73: {  	_ =	shalt  }
0x74: {  	_ =	shalt  }
0x75: {  	_ =	shalt  }
0x76: {  	_ =	shalt  }
0x77: {  	_ =	shalt  }
0x78: {  	_ =	shalt  }
0x79: {  	_ =	shalt  }
0x7a: {  	_ =	shalt  }
0x7b: {  	_ =	shalt  }
0x7c: {  	_ =	shalt  }
0x7d: {  	_ =	shalt  }
0x7e: {  	_ =	shalt  }
0x7f: {  	_ =	shalt  }
0x80: {  	_ =	shalt  }
0x81: {  	_ =	shalt  }
0x82: {  	_ =	shalt  }
0x83: {  	_ =	shalt  }
0x84: {  	_ =	shalt  }
0x85: {  	_ =	shalt  }
0x86: {  	_ =	shalt  }
0x87: {  	_ =	shalt  }
.Lfunc_end0:
.L_simem_size_0:
called_computation.1_lowered:
.L_overlay_start_0:
0x88: {  	s2 =	sld [smem:$0x3FD9]  }
0x89: {  	s3 =	sld [smem:$0x3FFE];
	_ =	sdelay $0x1  }
0x8a: {  	s1 =	srdreg.scid  }
0x8b: {  	s0 =	sand.u32 $0x1, s1  }
0x8c: {  	s14 =	sshll.u32 s0, $0xA;
	s2 =	sadd.s32 s3, s2  }
0x8d: {  	s2 =	sadd.s32 s2, s14  }
0x8e: {  	[smem:$0x3FC3] =	sst s2  }
0x8f: {  	_ = 	snop  }
0x90: {  	s2 =	sld [smem:$0x3FD0];
	_ =	sdelay $0x1  }
0x91: {  	s15 =	sld [smem:$0x3FC9]  }
0x92: {  	s5 =	simm.s32 $0xA;
	s6 =	simm.s32 $0x10;
	s4 =	sld [smem:$0x3FC8]  }
0x93: {  	[smem:s6], [sflag:s5] =	dma.local [hbm:s2], $0x1  }
0x94: {  	_ =	swait.eq [sflag:s5], $0x1  }
0x95: {  	s16 =	sld [smem:$0x10];
	[sflag:s5] =	ssyncset.done $0x0  }
0x96: {  	s17 =	sld [smem:$0x11];
	[sflag:s5] =	ssyncadd.s32 $0xFFFFFFFF  }
0x97: {  	s18 =	sld [smem:$0x12];
	(tm) =	ssettm $0x1  }
0x98: {  	s7 =	sld [smem:$0x3FFB];
	_ =	sdelay $0x3  }
0x99: {  	_ =	strace s7  }
0x9a: {  	s7 =	sld [smem:$0x3FFC];
	_ =	sdelay $0x3  }
0x9b: {  	_ =	strace s7  }
0x9c: {  	s7 =	sld [smem:$0x3FFD];
	_ =	sdelay $0x3  }
0x9d: {  	_ =	strace s7  }
0x9e: {  	_ =	strace $0x8FFFFFFF  }
0x9f: {  	s19 =	sld [smem:$0x3FDB];
	_ =	sdelay $0x1  }
0xa0: {  	s8 =	simm.s32 $_scs_section_size  }
0xa1: {  	s9 =	simm.s32 $_size__tile_overlayer_lowered;
	s10 =	simm.s32 $_tile_overlayer_lowered  }
0xa2: {  	s22 =	simm.s32 $0x1BFF;
	s21 =	sshll.u32 s10, $0x1;
	s7 =	sadd.s32 s8, s19  }
0xa3: {  	s11 =	simm.s32 $0x0;
	s20 =	sshll.u32 s9, $0x1;
	s9 =	sadd.s32 s21, s7  }
0xa4: {  	[timem:s11], [sflag:s22] =	dma.local [hbm:s9], s20  }
0xa5: {  	_ =	swait.ge [sflag:s22], s20  }
0xa6: {  	s8 =	ssub.s32 $0x0, s20;
	[sflag:s22] =	ssyncset.done $0x0  }
0xa7: {  	[sflag:s22] =	ssyncadd.s32 s8;
	_ =	sdelay $0x1  }
0xa8: {  	s23 =	simm.s32 $0x1B8B  }
0xa9: {  	_ =	swait.ge [sflag:s23], $0x1  }
0xaa: {  	[sflag:s23] =	ssyncset.done $0x0  }
0xab: {  	s25 =	simm.s32 $0x1B8E;
	s24 =	sld [smem:$0x3FFE];
	[sflag:s23] =	ssyncadd.s32 $0xFFFFFFFF  }
0xac: {  	s26 =	simm.s32 $execute0_lowered;
	[smem:$0x3FD2] =	sst s25  }
0xad: {  	s9 =	sshll.u32 s26, $0x1;
	_ =	strace $0x80000046;
	[dreg:$0x1] =	wrdreg $0xFFFFFFFF  }
0xae: {  	s28 =	simm.s32 $_size_execute0_lowered;
	s7 =	sadd.s32 s7, s9;
	[dreg:$0x0] =	wrdreg $0x0  }
0xaf: {  	s9 =	sshll.u32 s28, $0x1;
	[dreg:$0x2] =	wrdreg s7  }
0xb0: {  	[dreg:$0x3] =	wrdreg s9  }
0xb1: {  	[dreg:$0x4] =	wrdreg $0xC0  }
0xb2: {  	_ =	task [dreg:s11], $0x5FFFF  }
0xb3: {  	[dreg:$0x1] =	wrdreg $0xFFFFFFFF  }
0xb4: {  	[dreg:$0x0] =	wrdreg $0x60  }
0xb5: {  	[dreg:$0x2] =	wrdreg s15  }
0xb6: {  	[dreg:$0x3] =	wrdreg s4  }
0xb7: {  	[dreg:$0x4] =	wrdreg s24  }
0xb8: {  	[dreg:$0x5] =	wrdreg s16  }
0xb9: {  	[dreg:$0x6] =	wrdreg s17  }
0xba: {  	[dreg:$0x7] =	wrdreg s18  }
0xbb: {  	[dreg:$0x8] =	wrdreg $0x9  }
0xbc: {  	_ =	task.clear_ibuf [dreg:s11], $0x9FFFF;
	_ =	strace $0x90000046  }
0xbd: {  	s29 =	simm.s32 $0x9;
	_ =	strace $0x80000048  }
0xbe: {  	_ =	swait.ge [sflag:s29], $0x1  }
0xbf: {  	[sflag:s29] =	ssyncadd.s32 $0xFFFFFFFF  }
0xc0: {  	_ =	strace $0x90000048  }
0xc1: {  	_ =	sfence  }
0xc2: {  	s30 =	sld [smem:$0x0];
	_ =	sdelay $0x2  }
0xc3: {  	s31 =	sshll.u32 s1, $0xD;
	s1 =	sshrl.u32 s1, $0x2  }
0xc4: {  	s3 =	sand.u32 $0x4000, s31;
	s1 =	sadd.s32 s1, s30  }
0xc5: {  	s0 =	sor.u32 s3, s0;
	s1 =	sshll.u32 s1, $0x11  }
0xc6: {  	s0 =	sor.u32 s1, s0  }
0xc7: {  	s0 =	sadd.s32 $0x8F2B, s0  }
0xc8: {  	[sflag:s0] =	ssyncadd.remote.s32 $0x1  }
0xc9: {  	_ =	sfence.sel $0xFFFF  }
0xca: {  	[dreg:$0x0] =	wrdreg $0xFFFFFFFF;
	(pc) =	sbr.abs _section_cstart, $3  }
0xcb: {  	[dreg:$0x1] =	wrdreg $0xFFFFFFFF  }
0xcc: {  	_ =	task.clear_ibuf [dreg:s11], $0x2FFFF;
	_ =	strace $0x9FFFFFFF  }
0xcd: {  	(tm) =	ssettm $0x7FFFFFFF  }
tec
execute0_lowered:
.L_overlay_start_1:
0x0: {  	(tag) =	ssettag $0x1  }
0x1: {  	s5 =	rddreg [dreg:$0x0]  }
0x2: {  	s7 =	rddreg [dreg:$0x1]  }
0x3: {  	s4 =	rddreg [dreg:$0x2]  }
0x4: {  	s6 =	rddreg [dreg:$0x3]  }
0x5: {  	s1 =	srdreg.scid;
	s8 =	rddreg [dreg:$0x4]  }
0x6: {  	s0 =	stileid.u32;
	s10 =	rddreg [dreg:$0x5]  }
0x7: {  	s2 =	simm.s32 $0x0;
	s16 =	simm.s32 $0x100;
	s17 =	simm.s32 $0x4200  }
0x8: {  	s18 =	simm.s32 $0x180;
	s19 =	simm.s32 $0x6200;
	s20 =	simm.s32 $0x1  }
0x9: {  	s9 =	sand.u32 $0x1, s1;
	s3 =	smul.u32 $0x5000, s0;
	s1 =	rddreg [dreg:$0x6]  }
0xa: {  	s21 =	simm.s32 $0x0;
	[smem:$0x7FF] =	sst s2;
	s15 =	smul.u32 $0x28000, s0  }
0xb: {  	s13 =	sshll.u32 s0, $0x1;
	s11 =	smul.u32 $0x2800, s9;
	_ =	strace $0x80000047  }
0xc: {  	s12 =	ssub.s32 $0x2, s9;
	s13 =	sor.u32 s9, s13;
	s31 =	smul.u32 $0x14000, s9  }
0xd: {  	s14 =	sshrl.u32 s12, $0x1;
	s30 =	sshll.u32 s13, $0x6;
	s13 =	sshll.u32 s13, $0xC  }
0xe: {  	s10 =	sadd.s32 s15, s10;
	s15 =	simm.s32 $0x2200;
	s3 =	sadd.s32 s11, s3  }
0xf: {  	s12 =	ssub.s32 s12, s14;
	s5 =	sadd.s32 s5, s30;
	s6 =	sadd.s32 s6, s13  }
0x10: {  	s7 =	sadd.s32 s7, s30;
	s8 =	sadd.s32 s8, s13;
	s10 =	sadd.s32 s31, s10  }
0x11: {  	s13 =	simm.s32 $0x80;
	s14 =	simm.s32 $0x200;
	s3 =	sshrl.u32 s3, $0x3  }
0x12: {  	s9 =	smax.u32 s12, $0x1;
	s29 =	sadd.s32 s3, s4;
	s3 =	sadd.s32 $0x16E4800, s4  }
0x13: {  	s12 =	simm.s32 $0x2;
	s4 =	sadd.s32 $0xF43600, s4;
	s11 =	sadd.s32 $0x1200, s29  }
.LBB2_1:
0x14: {  	[tilespmem:s2], [sflag:$0x2] =	stream.linear.gather [hbm4b:s5+s2], $0x200, $0x38;
	[tilespmem:$0x8200] =	vst v63  }
0x15: {  	_ =	swait.ge [sflag:s12], $0x200  }
0x16: {  	[sflag:s12] =	ssyncset.done $0x0  }
0x17: {  	[sflag:s12] =	ssyncadd.s32 $0xFFFFFE00  }
0x18: {  	[tilespmem:s14], [sflag:$0x1] =	stream.indirect.gather [hbm4b:s3+s13], $0x40, s2, s13, $0xb8;
	[tilespmem:$0x8200] =	vst v63  }
0x19: {  	_ = 	snop  }
0x1a: {  	[tilespmem:s15], [sflag:$0x1] =	stream.indirect.gather [hbm4b:s3+s13], $0x40, s13, s13, $0xb8;
	[tilespmem:$0x8200] =	vst v63  }
0x1b: {  	_ = 	snop  }
0x1c: {  	[tilespmem:s17], [sflag:$0x1] =	stream.indirect.gather [hbm4b:s3+s13], $0x40, s16, s13, $0xb8;
	[tilespmem:$0x8200] =	vst v63  }
0x1d: {  	_ = 	snop  }
0x1e: {  	[tilespmem:s19], [sflag:$0x1] =	stream.indirect.gather [hbm4b:s3+s13], $0x40, s18, s13, $0xb8;
	[tilespmem:$0x8200] =	vst v63  }
0x1f: {  	_ =	swait.ge [sflag:s20], $0x2000  }
0x20: {  	[sflag:s20] =	ssyncset.done $0x0  }
0x21: {  	[sflag:s20] =	ssyncadd.s32 $0xFFFFE000  }
0x22: {  	_ =	swait.ge [sflag:s20], $0x2000  }
0x23: {  	[sflag:s20] =	ssyncset.done $0x0  }
0x24: {  	[sflag:s20] =	ssyncadd.s32 $0xFFFFE000  }
0x25: {  	_ =	swait.ge [sflag:s20], $0x2000  }
0x26: {  	[sflag:s20] =	ssyncset.done $0x0  }
0x27: {  	[sflag:s20] =	ssyncadd.s32 $0xFFFFE000  }
0x28: {  	_ =	swait.ge [sflag:s20], $0x2000  }
0x29: {  	[sflag:s20] =	ssyncset.done $0x0  }
0x2a: {  	[sflag:s20] =	ssyncadd.s32 $0xFFFFE000  }
0x2b: {  	[hbm4b:s6+s2] =	stream.linear.scatter [tilespmem:s14], [sflag:$0x2], $0x8000, $0x38;
	[tilespmem:$0x8200] =	vst v63  }
0x2c: {  	_ =	swait.ge [sflag:s12], $0x8000  }
0x2d: {  	[sflag:s12] =	ssyncset.done $0x0  }
0x2e: {  	[sflag:s12] =	ssyncadd.s32 $0xFFFF8000  }
0x2f: {  	[tilespmem:s2], [sflag:$0x2] =	stream.linear.gather [hbm4b:s7+s2], $0x200, $0x38;
	[tilespmem:$0x8200] =	vst v63  }
0x30: {  	_ =	swait.ge [sflag:s12], $0x200  }
0x31: {  	[sflag:s12] =	ssyncset.done $0x0  }
0x32: {  	[sflag:s12] =	ssyncadd.s32 $0xFFFFFE00  }
0x33: {  	[tilespmem:s14], [sflag:$0x1] =	stream.indirect.gather [hbm4b:s4+s13], $0x40, s2, s13, $0xb8;
	[tilespmem:$0x8200] =	vst v63  }
0x34: {  	_ = 	snop  }
0x35: {  	[tilespmem:s15], [sflag:$0x1] =	stream.indirect.gather [hbm4b:s4+s13], $0x40, s13, s13, $0xb8;
	[tilespmem:$0x8200] =	vst v63  }
0x36: {  	_ = 	snop  }
0x37: {  	[tilespmem:s17], [sflag:$0x1] =	stream.indirect.gather [hbm4b:s4+s13], $0x40, s16, s13, $0xb8;
	[tilespmem:$0x8200] =	vst v63  }
0x38: {  	_ = 	snop  }
0x39: {  	[tilespmem:s19], [sflag:$0x1] =	stream.indirect.gather [hbm4b:s4+s13], $0x40, s18, s13, $0xb8;
	[tilespmem:$0x8200] =	vst v63  }
0x3a: {  	_ =	swait.ge [sflag:s20], $0x2000  }
0x3b: {  	[sflag:s20] =	ssyncset.done $0x0  }
0x3c: {  	[sflag:s20] =	ssyncadd.s32 $0xFFFFE000  }
0x3d: {  	_ =	swait.ge [sflag:s20], $0x2000  }
0x3e: {  	[sflag:s20] =	ssyncset.done $0x0  }
0x3f: {  	[sflag:s20] =	ssyncadd.s32 $0xFFFFE000  }
0x40: {  	_ =	swait.ge [sflag:s20], $0x2000  }
0x41: {  	[sflag:s20] =	ssyncset.done $0x0  }
0x42: {  	[sflag:s20] =	ssyncadd.s32 $0xFFFFE000  }
0x43: {  	_ =	swait.ge [sflag:s20], $0x2000  }
0x44: {  	[sflag:s20] =	ssyncset.done $0x0  }
0x45: {  	[sflag:s20] =	ssyncadd.s32 $0xFFFFE000  }
0x46: {  	[hbm4b:s8+s2] =	stream.linear.scatter [tilespmem:s14], [sflag:$0x2], $0x8000, $0x38;
	[tilespmem:$0x8200] =	vst v63  }
0x47: {  	_ =	swait.ge [sflag:s12], $0x8000  }
0x48: {  	[sflag:s12] =	ssyncset.done $0x0  }
0x49: {  	s22 =	sadd.s32 $0x0, s11;
	[sflag:s12] =	ssyncadd.s32 $0xFFFF8000  }
0x4a: {  	[tilespmem:s2], [sflag:$0x2] =	stream.linear.gather [hbm4b:s22+s2], $0x200, $0x38;
	[tilespmem:$0x8200] =	vst v63  }
0x4b: {  	_ =	swait.ge [sflag:s12], $0x200  }
0x4c: {  	[sflag:s12] =	ssyncset.done $0x0  }
0x4d: {  	[sflag:s12] =	ssyncadd.s32 $0xFFFFFE00  }
0x4e: {  	[tilespmem:s14], [sflag:$0x1] =	stream.indirect.gather [hbm4b:s4+s13], $0x40, s2, s13, $0xb8;
	[tilespmem:$0x8200] =	vst v63  }
0x4f: {  	_ = 	snop  }
0x50: {  	[tilespmem:s15], [sflag:$0x1] =	stream.indirect.gather [hbm4b:s4+s13], $0x40, s13, s13, $0xb8;
	[tilespmem:$0x8200] =	vst v63  }
0x51: {  	_ = 	snop  }
0x52: {  	[tilespmem:s17], [sflag:$0x1] =	stream.indirect.gather [hbm4b:s4+s13], $0x40, s16, s13, $0xb8;
	[tilespmem:$0x8200] =	vst v63  }
0x53: {  	_ = 	snop  }
0x54: {  	[tilespmem:s19], [sflag:$0x1] =	stream.indirect.gather [hbm4b:s4+s13], $0x40, s18, s13, $0xb8;
	[tilespmem:$0x8200] =	vst v63  }
0x55: {  	_ =	swait.ge [sflag:s20], $0x2000  }
0x56: {  	[sflag:s20] =	ssyncset.done $0x0  }
0x57: {  	[sflag:s20] =	ssyncadd.s32 $0xFFFFE000  }
0x58: {  	_ =	swait.ge [sflag:s20], $0x2000  }
0x59: {  	[sflag:s20] =	ssyncset.done $0x0  }
0x5a: {  	[sflag:s20] =	ssyncadd.s32 $0xFFFFE000  }
0x5b: {  	_ =	swait.ge [sflag:s20], $0x2000  }
0x5c: {  	[sflag:s20] =	ssyncset.done $0x0  }
0x5d: {  	[sflag:s20] =	ssyncadd.s32 $0xFFFFE000  }
0x5e: {  	_ =	swait.ge [sflag:s20], $0x2000  }
0x5f: {  	[sflag:s20] =	ssyncset.done $0x0  }
0x60: {  	[sflag:s20] =	ssyncadd.s32 $0xFFFFE000  }
0x61: {  	[hbm4b:s10+s2] =	stream.linear.scatter [tilespmem:s14], [sflag:$0x2], $0x8000, $0x38;
	[tilespmem:$0x8200] =	vst v63  }
0x62: {  	s23 =	simm.s32 $0x40;
	_ =	swait.ge [sflag:s12], $0x8000  }
0x63: {  	s24 =	simm.s32 $0x80;
	s22 =	sadd.s32 $0x1000, s10;
	[sflag:s12] =	ssyncset.done $0x0  }
.LBB2_2:
0x64: {  	s25 =	sadd.s32 s23, s11  }
0x65: {  	[sflag:s12] =	ssyncadd.s32 $0xFFFF8000;
	s23 =	smov.u32 s24;
	s26 =	sadd.s32 $0x40, s24  }
0x66: {  	[tilespmem:s2], [sflag:$0x2] =	stream.linear.gather [hbm4b:s25+s2], $0x200, $0x38;
	[tilespmem:$0x8200] =	vst v63  }
0x67: {  	p0 =	sne.s32 s24, $0x4C0;
	_ =	swait.ge [sflag:s12], $0x200  }
0x68: {  	[sflag:s12] =	ssyncset.done $0x0  }
0x69: {  	[sflag:s12] =	ssyncadd.s32 $0xFFFFFE00  }
0x6a: {  	[tilespmem:s14], [sflag:$0x1] =	stream.indirect.gather [hbm4b:s4+s13], $0x40, s2, s13, $0xb8;
	[tilespmem:$0x8200] =	vst v63  }
0x6b: {  	_ = 	snop  }
0x6c: {  	[tilespmem:s15], [sflag:$0x1] =	stream.indirect.gather [hbm4b:s4+s13], $0x40, s13, s13, $0xb8;
	[tilespmem:$0x8200] =	vst v63  }
0x6d: {  	_ = 	snop  }
0x6e: {  	[tilespmem:s17], [sflag:$0x1] =	stream.indirect.gather [hbm4b:s4+s13], $0x40, s16, s13, $0xb8;
	[tilespmem:$0x8200] =	vst v63  }
0x6f: {  	_ = 	snop  }
0x70: {  	[tilespmem:s19], [sflag:$0x1] =	stream.indirect.gather [hbm4b:s4+s13], $0x40, s18, s13, $0xb8;
	[tilespmem:$0x8200] =	vst v63  }
0x71: {  	_ =	swait.ge [sflag:s20], $0x2000  }
0x72: {  	[sflag:s20] =	ssyncset.done $0x0  }
0x73: {  	[sflag:s20] =	ssyncadd.s32 $0xFFFFE000  }
0x74: {  	_ =	swait.ge [sflag:s20], $0x2000  }
0x75: {  	[sflag:s20] =	ssyncset.done $0x0  }
0x76: {  	[sflag:s20] =	ssyncadd.s32 $0xFFFFE000  }
0x77: {  	_ =	swait.ge [sflag:s20], $0x2000  }
0x78: {  	[sflag:s20] =	ssyncset.done $0x0  }
0x79: {  	[sflag:s20] =	ssyncadd.s32 $0xFFFFE000  }
0x7a: {  	_ =	swait.ge [sflag:s20], $0x2000  }
.Ltmp0:
0x7b: {  	[sflag:s20] =	ssyncset.done $0x0;
	(pc) =	sbr.rel @p0 .LBB2_2-.Ltmp0, $4  }
0x7c: {  	[sflag:s20] =	ssyncadd.s32 $0xFFFFE000  }
0x7d: {  	[hbm4b:s22+s2] =	stream.linear.scatter [tilespmem:s14], [sflag:$0x2], $0x8000, $0x38;
	[tilespmem:$0x8200] =	vst v63  }
0x7e: {  	_ =	swait.ge [sflag:s12], $0x8000  }
0x7f: {  	s24 =	smov.u32 s26;
	s22 =	sadd.s32 $0x1000, s22;
	[sflag:s12] =	ssyncset.done $0x0  }
0x80: {  	s23 =	sadd.s32 s23, s11;
	[sflag:s12] =	ssyncadd.s32 $0xFFFF8000  }
0x81: {  	[tilespmem:s2], [sflag:$0x2] =	stream.linear.gather [hbm4b:s23+s2], $0x200, $0x38;
	[tilespmem:$0x8200] =	vst v63  }
0x82: {  	_ =	swait.ge [sflag:s12], $0x200  }
0x83: {  	[sflag:s12] =	ssyncset.done $0x0  }
0x84: {  	[sflag:s12] =	ssyncadd.s32 $0xFFFFFE00  }
0x85: {  	[tilespmem:s14], [sflag:$0x1] =	stream.indirect.gather [hbm4b:s4+s13], $0x40, s2, s13, $0xb8;
	[tilespmem:$0x8200] =	vst v63  }
0x86: {  	_ = 	snop  }
0x87: {  	[tilespmem:s15], [sflag:$0x1] =	stream.indirect.gather [hbm4b:s4+s13], $0x40, s13, s13, $0xb8;
	[tilespmem:$0x8200] =	vst v63  }
0x88: {  	_ = 	snop  }
0x89: {  	[tilespmem:s17], [sflag:$0x1] =	stream.indirect.gather [hbm4b:s4+s13], $0x40, s16, s13, $0xb8;
	[tilespmem:$0x8200] =	vst v63  }
0x8a: {  	_ = 	snop  }
0x8b: {  	[tilespmem:s19], [sflag:$0x1] =	stream.indirect.gather [hbm4b:s4+s13], $0x40, s18, s13, $0xb8;
	[tilespmem:$0x8200] =	vst v63  }
0x8c: {  	_ =	swait.ge [sflag:s20], $0x2000  }
0x8d: {  	[sflag:s20] =	ssyncset.done $0x0  }
0x8e: {  	[sflag:s20] =	ssyncadd.s32 $0xFFFFE000  }
0x8f: {  	_ =	swait.ge [sflag:s20], $0x2000  }
0x90: {  	[sflag:s20] =	ssyncset.done $0x0  }
0x91: {  	[sflag:s20] =	ssyncadd.s32 $0xFFFFE000  }
0x92: {  	_ =	swait.ge [sflag:s20], $0x2000  }
0x93: {  	[sflag:s20] =	ssyncset.done $0x0  }
0x94: {  	[sflag:s20] =	ssyncadd.s32 $0xFFFFE000  }
0x95: {  	s21 =	sadd.s32 $0x1, s21;
	_ =	swait.ge [sflag:s20], $0x2000  }
0x96: {  	p0 =	sne.s32 s21, s9;
	[sflag:s20] =	ssyncset.done $0x0  }
.Ltmp1:
0x97: {  	[sflag:s20] =	ssyncadd.s32 $0xFFFFE000;
	(pc) =	sbr.rel @p0 .LBB2_1-.Ltmp1, $4  }
0x98: {  	[hbm4b:s22+s2] =	stream.linear.scatter [tilespmem:s14], [sflag:$0x2], $0x8000, $0x38;
	[tilespmem:$0x8200] =	vst v63  }
0x99: {  	_ =	swait.ge [sflag:s12], $0x8000  }
0x9a: {  	[sflag:s12] =	ssyncset.done $0x0  }
0x9b: {  	[sflag:s12] =	ssyncadd.s32 $0xFFFF8000  }
0x9c: {  	_ =	sfence.sel $0x180000  }
0x9d: {  	[bflag:$0x0] =	sbarrier.arrive $0xFFFF  }
0x9e: {  	p0 =	sne.s32 s0, $0x0;
	_ =	strace $0x90000047  }
0x9f: {  	s0 =	sadd.s32 @!p0 $0x100000, s1;
	[bflag:$0x2] =	sbarrier.arrive $0xFFFF  }
0xa0: {  	[sflag:s0] =	ssyncadd.tile.s32 @!p0 $0x1;
	_ =	shalt  }
.Lfunc_end2:
_tile_overlayer_lowered:
.L_overlay_start_2:
0xa1: {  	(tag) =	ssettag $0x2  }
0xa2: {  	s0 =	rddreg [dreg:$0x0];
	s2 =	stileid.u32  }
0xa3: {  	s1 =	rddreg [dreg:$0x1];
	p0 =	sne.s32 s2, $0x0  }
0xa4: {  	s3 =	rddreg [dreg:$0x2];
	[bflag:$0x3] =	sbarrier.arrive $0xFFFF;
	s2 =	simm.s32 @!p0 $0x1C02  }
0xa5: {  	[timem:s3], [sflag:s2] =	dma.local @!p0 [hbm:s0], s1  }
0xa6: {  	s0 =	simm.s32 @!p0 $0x2  }
0xa7: {  	_ =	swait.ge @!p0 [sflag:s0], s1  }
0xa8: {  	s1 =	ssub.s32 @!p0 $0x0, s1;
	[sflag:s0] =	ssyncset.done @!p0 $0x0  }
0xa9: {  	[sflag:s0] =	ssyncadd.s32 @!p0 s1  }
0xaa: {  	[bflag:$0x3] =	sbarrier.arrive $0xFFFF  }
0xab: {  	_ =	shalt  }

// kernel: sparse-core-data-format-call.cloned.1.call-start
scs
called_computation_lowered:
.L_overlay_start_0:
0x0: {  	s2 =	sld [smem:$0x3FD9]  }
0x1: {  	s3 =	sld [smem:$0x3FFE];
	_ =	sdelay $0x1  }
0x2: {  	s1 =	srdreg.scid  }
0x3: {  	s0 =	sand.u32 $0x1, s1  }
0x4: {  	s15 =	sshll.u32 s0, $0xA;
	s2 =	sadd.s32 s3, s2  }
0x5: {  	s2 =	sadd.s32 s2, s15  }
0x6: {  	[smem:$0x3FC3] =	sst s2  }
0x7: {  	_ = 	snop  }
0x8: {  	s2 =	sld [smem:$0x3FD0];
	_ =	sdelay $0x2  }
0x9: {  	s16 =	simm.s32 $0xA;
	s4 =	simm.s32 $0x10  }
0xa: {  	[smem:s4], [sflag:s16] =	dma.local [hbm:s2], $0x1  }
0xb: {  	_ =	swait.eq [sflag:s16], $0x1  }
0xc: {  	[sflag:s16] =	ssyncset.done $0x0  }
0xd: {  	[sflag:s16] =	ssyncadd.s32 $0xFFFFFFFF  }
0xe: {  	s17 =	sld [smem:$0x12];
	(tm) =	ssettm $0x1  }
0xf: {  	s18 =	sld [smem:$0x3FFB];
	_ =	sdelay $0x3  }
0x10: {  	_ =	strace s18  }
0x11: {  	s3 =	sld [smem:$0x3FFC];
	_ =	sdelay $0x3  }
0x12: {  	_ =	strace s3  }
0x13: {  	s3 =	sld [smem:$0x3FFD];
	_ =	sdelay $0x3  }
0x14: {  	_ =	strace s3  }
0x15: {  	_ =	strace $0x8FFFFFFF  }
0x16: {  	s19 =	sld [smem:$0x3FDB];
	_ =	sdelay $0x1  }
0x17: {  	s20 =	simm.s32 $_scs_section_size  }
0x18: {  	s5 =	simm.s32 $_size__tile_overlayer_lowered;
	s6 =	simm.s32 $_tile_overlayer_lowered  }
0x19: {  	s23 =	simm.s32 $0x1BFF;
	s22 =	sshll.u32 s6, $0x1;
	s3 =	sadd.s32 s20, s19  }
0x1a: {  	s7 =	simm.s32 $0x0;
	s21 =	sshll.u32 s5, $0x1;
	s5 =	sadd.s32 s22, s3  }
0x1b: {  	[timem:s7], [sflag:s23] =	dma.local [hbm:s5], s21  }
0x1c: {  	_ =	swait.ge [sflag:s23], s21  }
0x1d: {  	s4 =	ssub.s32 $0x0, s21;
	[sflag:s23] =	ssyncset.done $0x0  }
0x1e: {  	[sflag:s23] =	ssyncadd.s32 s4;
	_ =	sdelay $0x1  }
0x1f: {  	s24 =	simm.s32 $0x1B8B  }
0x20: {  	_ =	swait.ge [sflag:s24], $0x1  }
0x21: {  	[sflag:s24] =	ssyncset.done $0x0  }
0x22: {  	s26 =	simm.s32 $0x1B8E;
	s25 =	sld [smem:$0x3FFE];
	[sflag:s24] =	ssyncadd.s32 $0xFFFFFFFF  }
0x23: {  	s27 =	simm.s32 $execute0_lowered;
	[smem:$0x3FD2] =	sst s26  }
0x24: {  	s5 =	sshll.u32 s27, $0x1;
	_ =	strace $0x80000049;
	[dreg:$0x1] =	wrdreg $0xFFFFFFFF  }
0x25: {  	s28 =	simm.s32 $_size_execute0_lowered;
	s3 =	sadd.s32 s3, s5;
	[dreg:$0x0] =	wrdreg $0x0  }
0x26: {  	s5 =	sshll.u32 s28, $0x1;
	[dreg:$0x2] =	wrdreg s3  }
0x27: {  	[dreg:$0x3] =	wrdreg s5  }
0x28: {  	[dreg:$0x4] =	wrdreg $0xC0  }
0x29: {  	_ =	task [dreg:s7], $0x5FFFF  }
0x2a: {  	[dreg:$0x1] =	wrdreg $0xFFFFFFFF  }
0x2b: {  	[dreg:$0x0] =	wrdreg $0x60  }
0x2c: {  	[dreg:$0x2] =	wrdreg s25  }
0x2d: {  	[dreg:$0x3] =	wrdreg s17  }
0x2e: {  	[dreg:$0x4] =	wrdreg $0x9  }
0x2f: {  	_ =	task.clear_ibuf [dreg:s7], $0x5FFFF;
	_ =	strace $0x90000049  }
0x30: {  	s29 =	simm.s32 $0x9;
	_ =	strace $0x8000004B  }
0x31: {  	_ =	swait.ge [sflag:s29], $0x1  }
0x32: {  	[sflag:s29] =	ssyncadd.s32 $0xFFFFFFFF  }
0x33: {  	_ =	strace $0x9000004B  }
0x34: {  	_ =	sfence  }
0x35: {  	s30 =	sld [smem:$0x0];
	_ =	sdelay $0x2  }
0x36: {  	s31 =	sshll.u32 s1, $0xD;
	s1 =	sshrl.u32 s1, $0x2  }
0x37: {  	s3 =	sand.u32 $0x4000, s31;
	s1 =	sadd.s32 s1, s30  }
0x38: {  	s0 =	sor.u32 s3, s0;
	s1 =	sshll.u32 s1, $0x11  }
0x39: {  	s0 =	sor.u32 s1, s0  }
0x3a: {  	s0 =	sadd.s32 $0x8F2B, s0  }
0x3b: {  	[sflag:s0] =	ssyncadd.remote.s32 $0x1  }
0x3c: {  	_ =	sfence.sel $0xFFFF  }
0x3d: {  	[dreg:$0x0] =	wrdreg $0xFFFFFFFF;
	(pc) =	sbr.abs _section_cstart, $3  }
0x3e: {  	[dreg:$0x1] =	wrdreg $0xFFFFFFFF  }
0x3f: {  	_ =	task.clear_ibuf [dreg:s7], $0x2FFFF;
	_ =	strace $0x9FFFFFFF  }
0x40: {  	(tm) =	ssettm $0x7FFFFFFF  }
0x41: {  	_ =	shalt  }
tec
execute0_lowered:
.L_overlay_start_1:
0x0: {  	(tag) =	ssettag $0x1  }
0x1: {  	s0 =	srdreg.scid  }
0x2: {  	s1 =	sshll.u32 s0, $0x4  }
0x3: {  	s0 =	stileid.u32;
	s1 =	sand.u32 $0x10, s1  }
0x4: {  	s1 =	sor.u32 s0, s1  }
0x5: {  	s6 =	rddreg [dreg:$0x0];
	s4 =	simm.s32 $0x1;
	s2 =	sshll.u32 s1, $0x7  }
0x6: {  	s7 =	simm.s32 $0x2;
	s12 =	simm.s32 $0x0;
	s1 =	ssub.s32 $0x4000, s2  }
0x7: {  	s8 =	simm.s32 $0x20000;
	s13 =	simm.s32 $0x0;
	s3 =	sand.u32 $0xF80, s1  }
0x8: {  	s9 =	simm.s32 $0x0;
	s5 =	sshrl.u32 s1, $0xC;
	p0 =	sne.s32 s3, $0x0  }
.Ltmp0:
0x9: {  	s1 =	rddreg [dreg:$0x2];
	s4 =	simm.s32 @!p0 $0x0;
	(pc) =	sbr.rel .LBB1_1-.Ltmp0, $4  }
0xa: {  	s11 =	simm.s32 $0x0;
	s3 =	rddreg [dreg:$0x1];
	s5 =	sadd.s32 s4, s5  }
0xb: {  	_ =	strace $0x8000004A;
	s4 =	simm.s32 $0x1;
	s5 =	smul.u32 $0x14, s5  }
0xc: {  	s6 =	sadd.s32 $0x1200, s6;
	s10 =	smov.u32 s2;
	[sflag:s4] =	ssyncpa.u1 $0x0  }
0xd: {  	p0 =	por $0x0, $0x0;
	[sflag:s7] =	ssyncpa.u1 $0x0;
	s7 =	sor.u32 $0x1, s5  }
.LBB1_4:
0xe: {  	s16 =	sshll.u32 s13, $0x3;
	s17 =	sand.u32 $0x78, s13  }
0xf: {  	s30 =	sand.u32 $0x1F800, s13;
	s12 =	sshll.u32 s12, $0x11;
	s16 =	sand.u32 $0x3C00, s16  }
0x10: {  	[tilespmem:s15+$0x810 ss:$0x81] =	vst.msk $0xffff, v2;
	s31 =	sand.u32 $0x7, s13;
	s16 =	sor.u32 s17, s16;
	s17 =	sadd.s32 s3, s30  }
0x11: {  	[tilespmem:s15+$0x1020 ss:$0x81] =	vst.msk $0xffff, v0;
	s13 =	sshll.u32 s31, $0x12;
	s12 =	sadd.s32 s12, s17;
	s16 =	sshrl.u32 s16, $0x3  }
0x12: {  	[tilespmem:s15+$0x0 ss:$0x81] =	vst.msk $0xffff, v1;
	s13 =	sor.u32 $0x400, s13;
	s12 =	sadd.s32 s16, s12  }
0x13: {  	[hbm4b:s12+s13] =	stream.strided.scatter [tilespmem:s14], [sflag:$0x2], $0x2000, s8, s13, $0x20;
	[tilespmem:$0x8080] =	vst v63  }
.LBB1_5:
0x14: {  	s14 =	sadd.s32 $0x1, s9  }
0x15: {  	s12 =	sadd.s32 $0x1000, s10;
	s16 =	smov.u32 s10;
	p2 =	sgt.s32 s14, $0x13  }
0x16: {  	s16 =	smov.u32 @p2 s12  }
0x17: {  	s14 =	simm.s32 @p2 $0x0;
	p2 =	sgt.s32 s16, $0x3FFF  }
0x18: {  	s16 =	smov.u32 @p2 s2;
	p2 =	sne.s32 s11, s7  }
.Ltmp1:
0x19: {  	p1 =	slt.u32 s11, $0x2;
	(pc) =	sbr.rel @!p2 .LBB1_6-.Ltmp1, $4  }
0x1a: {  	s15 =	simm.s32 @!p1 $0x2  }
0x1b: {  	s13 =	smov.u32 s10;
	p0 =	por !p0, !p0;
	_ =	swait.ge @!p1 [sflag:s15], $0x2000  }
0x1c: {  	s12 =	smov.u32 s9;
	[sflag:s15] =	ssyncset.done @!p1 $0x0;
	s9 =	smov.u32 s14  }
0x1d: {  	s11 =	sadd.s32 $0x1, s11;
	[sflag:s15] =	ssyncadd.s32 @!p1 $0xFFFFE000;
	s10 =	smov.u32 s16  }
.LBB1_1:
0x1e: {  	p1 =	sge.u32 s11, s5  }
0x1f: {  	s14 =	sand.u32 @!p1 $0x1FFFFFF, s9  }
0x20: {  	s15 =	smulhi.u32 @!p1 $0xAAAAAAB, s14;
	_ =	sdelay $0x1  }
0x21: {  	s15 =	smul.u32 @!p1 $0x18, s15  }
0x22: {  	s16 =	sxor.u32 @!p1 $0xFFFFFFFF, s11;
	s17 =	smul.u32 @!p1 $0x180, s10  }
0x23: {  	s31 =	sadd.s32 $0xFFFFFFFF, s11;
	s16 =	sshll.u32 @!p1 s16, $0xD;
	s14 =	ssub.s32 @!p1 s14, s15  }
0x24: {  	s15 =	sand.u32 @!p1 $0x2000, s16;
	s16 =	sadd.s32 @!p1 s6, s17;
	s14 =	sshll.u32 @!p1 s14, $0x4  }
0x25: {  	s17 =	simm.s32 @!p1 $0xC00;
	s14 =	sadd.s32 @!p1 s14, s16;
	s16 =	simm.s32 @!p1 $0x40  }
0x26: {  	[tilespmem:s15], [sflag:$0x1] =	stream.strided.gather @!p1 [hbm4b:s14+s16], $0x2000, s17, s16, $0x38;
	[tilespmem:$0x8080] =	vst v63  }
0x27: {  	p1 =	sge.u32 s31, s5  }
.Ltmp2:
0x28: {  	_ = 	snop;
	(pc) =	sbr.rel @p1 .LBB1_5-.Ltmp2, $1  }
0x29: {  	_ =	sdelay $0x3  }
0x2a: {  	s14 =	simm.s32 $0x1  }
0x2b: {  	_ =	swait.ge [sflag:s4], $0x2000;
	s14 =	simm.s32 @!p0 $0x0  }
0x2c: {  	[sflag:s4] =	ssyncset.done $0x0;
	s15 =	sshll.u32 s14, $0xD  }
0x2d: {  	[sflag:s4] =	ssyncadd.s32 $0xFFFFE000;
	s18 =	sor.u32 $0x20, s15  }
0x2e: {  	s14 =	smul.u32 $0x8100, s14;
	v3 =	vld [tilespmem:s18+$0x10]  }
0x2f: {  	s30 =	sand.u32 $0x1, s11;
	v2 =	vld [tilespmem:s18+$0xFFFFFFF0]  }
0x30: {  	s15 =	smul.u32 $0x8100, s30;
	s14 =	sshrl.u32 s14, $0x2;
	v0 =	vld [tilespmem:s18+$0x0]  }
0x31: {  	v1 =	vld [tilespmem:s18+$0xFFFFFFE0];
	s16 =	sor.u32 $0x4000, s14  }
0x32: {  	s31 =	sshrl.u32 s15, $0x2;
	s15 =	sadd.s32 $0x0, s16  }
0x33: {  	s17 =	simm.s32 $0x4;
	s18 =	sadd.s32 $0x40, s18;
	s14 =	sor.u32 $0x4000, s31;
	[tilespmem:s15+$0x1830 ss:$0x81] =	vst.msk $0xffff, v3  }
.LBB1_3:
0x34: {  	v3 =	vld [tilespmem:s18+$0x10];
	p1 =	sne.s32 s17, $0x1FC;
	[tilespmem:s15+$0x810 ss:$0x81] =	vst.msk $0xffff, v2;
	s19 =	smov.u32 s17;
	s17 =	sadd.s32 $0x4, s17  }
.Ltmp3:
0x35: {  	v2 =	vld [tilespmem:s18+$0xFFFFFFF0];
	[tilespmem:s15+$0x1020 ss:$0x81] =	vst.msk $0xffff, v0;
	(pc) =	sbr.rel @p1 .LBB1_3-.Ltmp3, $4  }
0x36: {  	v0 =	vld [tilespmem:s18+$0x0];
	[tilespmem:s15+$0x0 ss:$0x81] =	vst.msk $0xffff, v1  }
0x37: {  	s15 =	sshra.s32 s19, $0x2;
	v1 =	vld [tilespmem:s18+$0xFFFFFFE0]  }
0x38: {  	s15 =	sadd.s32 s15, s16  }
0x39: {  	s18 =	sadd.s32 $0x40, s18;
	[tilespmem:s15+$0x1830 ss:$0x81] =	vst.msk $0xffff, v3  }
.Ltmp4:
0x3a: {  	_ = 	snop;
	(pc) =	sbr.rel .LBB1_4-.Ltmp4, $1  }
0x3b: {  	_ =	sdelay $0x3  }
.LBB1_6:
0x3c: {  	_ =	sfence.sel $0x180000  }
0x3d: {  	s2 =	simm.s32 $0x1;
	[bflag:$0x0] =	sbarrier.arrive $0xFFFF  }
0x3e: {  	s31 =	simm.s32 $0x2;
	[sflag:s2] =	ssyncpa.u1 $0x1  }
0x3f: {  	[sflag:s31] =	ssyncpa.u1 $0x1  }
0x40: {  	p0 =	sne.s32 s0, $0x0;
	_ =	strace $0x9000004A  }
0x41: {  	s0 =	sadd.s32 @!p0 $0x100000, s1;
	[bflag:$0x2] =	sbarrier.arrive $0xFFFF  }
0x42: {  	[sflag:s0] =	ssyncadd.tile.s32 @!p0 $0x1;
	_ =	shalt  }
.Lfunc_end1:
_tile_overlayer_lowered:
.L_overlay_start_2:
0x43: {  	(tag) =	ssettag $0x2  }
0x44: {  	s0 =	rddreg [dreg:$0x0];
	s2 =	stileid.u32  }
0x45: {  	s1 =	rddreg [dreg:$0x1];
	p0 =	sne.s32 s2, $0x0  }
0x46: {  	s3 =	rddreg [dreg:$0x2];
	[bflag:$0x3] =	sbarrier.arrive $0xFFFF;
	s2 =	simm.s32 @!p0 $0x1C01  }
0x47: {  	[timem:s3], [sflag:s2] =	dma.local @!p0 [hbm:s0], s1  }
0x48: {  	s0 =	simm.s32 @!p0 $0x1  }
0x49: {  	_ =	swait.ge @!p0 [sflag:s0], s1  }
0x4a: {  	s1 =	ssub.s32 @!p0 $0x0, s1;
	[sflag:s0] =	ssyncset.done @!p0 $0x0  }
0x4b: {  	[sflag:s0] =	ssyncadd.s32 @!p0 s1  }
0x4c: {  	[bflag:$0x3] =	sbarrier.arrive $0xFFFF  }
0x4d: {  	_ =	shalt  }

</sc_bundles>
